<compile_context>
chip_gen: v7x
topology: tpu7x:2x2x1
jax: 0.10.2.dev20260603
libtpu: 0.0.44.dev20260713+nightly
codegen_flags: <defaults>
</compile_context>

<pallas_src>
import jax
import jax.numpy as jnp
from jax import lax
from jax.experimental import pallas as pl
from jax.experimental.pallas import tpu as pltpu
from jax.experimental.pallas import tpu_sc as plsc

D = 16
M = 16384
H = 64
K_SMALL = 32
K_BIG = 48
F = D * 3
INPUT_DIM = 256
ODE_STEPS = 2
ODE_DT = 0.5
LB_MOMENTUM = 0.99
LB_DROP = 0.7
LB_TOP1_AVG0 = 1.0

TOK_TILE = 256
SLOT_TILE = 2048
BLK = 32
NBLK = M // BLK
NC, NS, LANES = 2, 16, 16
NW = NC * NS
N_TOKENS = 2048
TOK_PER_W = N_TOKENS // NW
INF_BITS = 0x7F800000


def _layer_norm(x, g, b, eps=1e-5):
    mu = jnp.mean(x, axis=-1, keepdims=True)
    var = jnp.mean((x - mu) ** 2, axis=-1, keepdims=True)
    return (x - mu) * lax.rsqrt(var + eps) * g + b


def _gelu_exact(x):
    return x * 0.5 * (1.0 + lax.erf(x * (2.0 ** -0.5)))



def _q_kernel(x_ref, w1_ref, b1_ref, g1_ref, bb1_ref, w2_ref, b2_ref,
              w3_ref, b3_ref, q_ref):
    x = x_ref[...]
    man = jnp.dot(x, w1_ref[...].T, preferred_element_type=jnp.float32) + b1_ref[...]
    man = _gelu_exact(_layer_norm(man, g1_ref[...], bb1_ref[...]))
    ev = man
    for _ in range(ODE_STEPS):
        h = jnp.tanh(jnp.dot(ev, w2_ref[...].T, preferred_element_type=jnp.float32) + b2_ref[...])
        dx = jnp.dot(h, w3_ref[...].T, preferred_element_type=jnp.float32) + b3_ref[...]
        ev = ev + ODE_DT * dx
    q_ref[...] = ev


def _dist_kernel(q_ref, mp_ref, curv_ref, invt_ref, alpha_ref,
                 dist_ref, bm_ref, d0_ref):
    j = pl.program_id(1)
    q = q_ref[...]
    mp = mp_ref[...]
    curv = curv_ref[...]
    inv_t = invt_ref[0, 0]
    alpha = alpha_ref[0, 0]
    q2 = jnp.sum(q * q, axis=-1, keepdims=True)
    m2 = jnp.sum(mp * mp, axis=-1)
    cross = jnp.dot(q, mp.T, preferred_element_type=jnp.float32)
    d2 = q2 + m2[None, :] - 2.0 * cross
    dist = jnp.sqrt(jnp.clip(d2, 0.0, None)) * inv_t
    cw = jnp.exp(-alpha * jnp.sqrt(jnp.sum(curv * curv, axis=-1)))
    dist = dist * cw[None, :]
    dist_ref[...] = dist
    bm_ref[0] = jnp.min(dist.reshape(TOK_TILE, SLOT_TILE // BLK, BLK), axis=-1)
    rowmin = jnp.min(dist, axis=-1, keepdims=True)

    @pl.when(j == 0)
    def _():
        d0_ref[...] = rowmin

    @pl.when(j > 0)
    def _():
        d0_ref[...] = jnp.minimum(d0_ref[...], rowmin)


def _attend_kernel(dist_ref, thr_ref, d0_ref, d0row_ref, mem_ref,
                   w4_ref, b4_ref, g2_ref, bb2_ref, out_ref,
                   acc_ref, ssum_ref, acce_ref, clt_ref, ceq_ref):
    j = pl.program_id(1)
    nj = pl.num_programs(1)

    @pl.when(j == 0)
    def _():
        acc_ref[...] = jnp.zeros_like(acc_ref)
        ssum_ref[...] = jnp.zeros_like(ssum_ref)
        acce_ref[...] = jnp.zeros_like(acce_ref)
        clt_ref[...] = jnp.zeros_like(clt_ref)
        ceq_ref[...] = jnp.zeros_like(ceq_ref)

    top1 = jnp.mean(d0row_ref[...])
    lb_new = LB_MOMENTUM * LB_TOP1_AVG0 + (1.0 - LB_MOMENTUM) * top1
    fire = top1 < LB_DROP * lb_new
    thr = jnp.where(fire, thr_ref[:, 0:1], thr_ref[:, 1:2])
    d0 = d0_ref[...]
    dist = dist_ref[...]
    m_lt = dist < thr
    m_eq = dist == thr
    e = jnp.exp(d0 - dist)
    w_lt = jnp.where(m_lt, e, 0.0)
    w_eq = jnp.where(m_eq, e, 0.0)
    acc_ref[...] += jnp.dot(w_lt, mem_ref[...], preferred_element_type=jnp.float32)
    acce_ref[...] += jnp.dot(w_eq, mem_ref[...], preferred_element_type=jnp.float32)
    ssum_ref[...] += jnp.sum(w_lt, axis=-1, keepdims=True)
    clt_ref[...] += jnp.sum(m_lt.astype(jnp.float32), axis=-1, keepdims=True)
    ceq_ref[...] += jnp.sum(m_eq.astype(jnp.float32), axis=-1, keepdims=True)

    @pl.when(j == nj - 1)
    def _():
        k = jnp.where(fire, jnp.float32(K_BIG), jnp.float32(K_SMALL))
        need = k - clt_ref[...]
        gamma = need / ceq_ref[...]
        e_thr = jnp.exp(d0 - thr)
        z = ssum_ref[...] + need * e_thr
        att = (acc_ref[...] + gamma * acce_ref[...]) / z
        y = jnp.dot(att, w4_ref[...].T, preferred_element_type=jnp.float32) + b4_ref[...]
        out_ref[...] = _gelu_exact(_layer_norm(y, g2_ref[...], bb2_ref[...]))



def _tau0_kernel(bm3_ref, tau0_ref):
    bm = bm3_ref[...]
    n_tok = bm.shape[1]
    lo0 = jnp.zeros((n_tok, 1), jnp.int32)
    hi0 = jnp.full((n_tok, 1), INF_BITS, jnp.int32)

    def it(_, lh):
        lo, hi = lh
        mid = lo + (hi - lo) // 2
        thr = lax.bitcast_convert_type(mid, jnp.float32)
        cnt = jnp.sum((bm <= thr[None]).astype(jnp.int32), axis=(0, 2),
                      keepdims=True)[0]
        ge = cnt >= K_BIG
        return jnp.where(ge, lo, mid + 1), jnp.where(ge, mid, hi)

    _, hi = lax.fori_loop(0, 31, it, (lo0, hi0))
    tau0_ref[...] = jnp.broadcast_to(
        lax.bitcast_convert_type(hi, jnp.float32), tau0_ref.shape)


def _rank_kernel(cand_ref, thr_ref):
    cand = cand_ref[...]
    n_tok = cand.shape[0]

    def search(k, lo0, hi0):
        def it(_, lh):
            lo, hi = lh
            mid = lo + (hi - lo) // 2
            thr = lax.bitcast_convert_type(mid, jnp.float32)
            cnt = jnp.sum((cand <= thr).astype(jnp.int32), axis=1,
                          keepdims=True)
            ge = cnt >= k
            return jnp.where(ge, lo, mid + 1), jnp.where(ge, mid, hi)
        _, hi = lax.fori_loop(0, 31, it, (lo0, hi0))
        return hi

    lo0 = jnp.zeros((n_tok, 1), jnp.int32)
    hi0 = jnp.full((n_tok, 1), INF_BITS, jnp.int32)
    h48 = search(K_BIG, lo0, hi0)
    h32 = search(K_SMALL, lo0, h48)
    v48 = lax.bitcast_convert_type(h48, jnp.float32)
    v32 = lax.bitcast_convert_type(h32, jnp.float32)
    is0 = lax.broadcasted_iota(jnp.int32, thr_ref.shape, 1) == 0
    thr_ref[...] = jnp.where(is0, v48, v32)



def _sc_body(dist_hbm, bm3_hbm, tau0_hbm, cand_hbm,
             bm_v, cand_v, tau_v, sm, sem):
    wid = lax.axis_index("s") * NC + lax.axis_index("c")
    t0 = wid * TOK_PER_W
    pltpu.sync_copy(bm3_hbm.at[:, pl.ds(t0, TOK_PER_W), :], bm_v)
    pltpu.sync_copy(tau0_hbm.at[pl.ds(t0, TOK_PER_W)], tau_v)

    def token_body(ti, _):
        t = t0 + ti
        tau0_s = tau_v[ti, pl.ds(0, LANES)][0]

        def cb1(c, cur):
            j = c // 4
            kk = (c % 4) * LANES
            v = bm_v[j, ti, pl.ds(kk, LANES)]
            for i in range(LANES):
                sm[cur] = j * (SLOT_TILE // BLK) + kk + i
                sel = (v[i] <= tau0_s).astype(jnp.int32)
                cur = jnp.minimum(cur + sel, K_BIG)
            return cur
        lax.fori_loop(0, NBLK // LANES, cb1, jnp.int32(0))

        def fire_b(jj, c):
            base = t * M + sm[jj] * BLK
            pltpu.async_copy(dist_hbm.at[pl.ds(base, BLK)],
                             cand_v.at[pl.ds(jj * BLK, BLK)], sem)
            return c + 1
        lax.fori_loop(0, K_BIG, fire_b, jnp.int32(0))

        def drain_b(jj, c):
            pltpu.make_async_copy(dist_hbm.at[pl.ds(0, BLK)],
                                  cand_v.at[pl.ds(0, BLK)], sem).wait()
            return c + 1
        lax.fori_loop(0, K_BIG, drain_b, jnp.int32(0))

        pltpu.sync_copy(cand_v, cand_hbm.at[t])
        return 0

    lax.fori_loop(0, TOK_PER_W, token_body, 0)


def _sc_gather_candidates(dist, bm3, tau0):
    mesh = plsc.VectorSubcoreMesh(core_axis_name="c", subcore_axis_name="s",
                                  num_cores=NC, num_subcores=NS)
    f = pl.kernel(
        _sc_body,
        out_type=[jax.ShapeDtypeStruct((N_TOKENS, K_BIG * BLK), jnp.float32)],
        mesh=mesh,
        scratch_types=[
            pltpu.VMEM((M // SLOT_TILE, TOK_PER_W, SLOT_TILE // BLK),
                       jnp.float32),
            pltpu.VMEM((K_BIG * BLK,), jnp.float32),
            pltpu.VMEM((TOK_PER_W, LANES), jnp.float32),
            pltpu.SMEM((K_BIG + LANES,), jnp.int32),
            pltpu.SemaphoreType.DMA,
        ],
    )
    return f(dist.reshape(N_TOKENS * M), bm3, tau0)[0]



def kernel(x, W1, b1, ln1_g, ln1_b, memory_slots, positional_encoding, curvature,
           curv_alpha, W2, b2, W3, b3, W4, b4, ln2_g, ln2_b, temperature):
    B, S, _ = x.shape
    N = B * S
    xf = x.reshape(N, INPUT_DIM)
    n_tok = N // TOK_TILE
    n_slot = M // SLOT_TILE

    q = pl.pallas_call(
        _q_kernel,
        grid=(n_tok,),
        in_specs=[
            pl.BlockSpec((TOK_TILE, INPUT_DIM), lambda i: (i, 0)),
            pl.BlockSpec((F, INPUT_DIM), lambda i: (0, 0)),
            pl.BlockSpec((1, F), lambda i: (0, 0)),
            pl.BlockSpec((1, F), lambda i: (0, 0)),
            pl.BlockSpec((1, F), lambda i: (0, 0)),
            pl.BlockSpec((128, F), lambda i: (0, 0)),
            pl.BlockSpec((1, 128), lambda i: (0, 0)),
            pl.BlockSpec((F, 128), lambda i: (0, 0)),
            pl.BlockSpec((1, F), lambda i: (0, 0)),
        ],
        out_specs=pl.BlockSpec((TOK_TILE, F), lambda i: (i, 0)),
        out_shape=jax.ShapeDtypeStruct((N, F), jnp.float32),
    )(xf, W1, b1.reshape(1, F), ln1_g.reshape(1, F), ln1_b.reshape(1, F),
      W2, b2.reshape(1, 128), W3, b3.reshape(1, F))

    mem_pos = positional_encoding.reshape(M, F)
    inv_t = (1.0 / jnp.maximum(temperature, 1e-6)).reshape(1, 1).astype(jnp.float32)

    dist, bm3, d0 = pl.pallas_call(
        _dist_kernel,
        grid=(n_tok, n_slot),
        in_specs=[
            pl.BlockSpec((TOK_TILE, F), lambda i, j: (i, 0)),
            pl.BlockSpec((SLOT_TILE, F), lambda i, j: (j, 0)),
            pl.BlockSpec((SLOT_TILE, D), lambda i, j: (j, 0)),
            pl.BlockSpec((1, 1), lambda i, j: (0, 0), memory_space=pltpu.SMEM),
            pl.BlockSpec((1, 1), lambda i, j: (0, 0), memory_space=pltpu.SMEM),
        ],
        out_specs=[
            pl.BlockSpec((TOK_TILE, SLOT_TILE), lambda i, j: (i, j)),
            pl.BlockSpec((1, TOK_TILE, SLOT_TILE // BLK), lambda i, j: (j, i, 0)),
            pl.BlockSpec((TOK_TILE, 1), lambda i, j: (i, 0)),
        ],
        out_shape=[
            jax.ShapeDtypeStruct((N, M), jnp.float32),
            jax.ShapeDtypeStruct((n_slot, N, SLOT_TILE // BLK), jnp.float32),
            jax.ShapeDtypeStruct((N, 1), jnp.float32),
        ],
    )(q, mem_pos, curvature, inv_t,
      curv_alpha.reshape(1, 1).astype(jnp.float32))

    tau0 = pl.pallas_call(
        _tau0_kernel,
        grid=(n_tok,),
        in_specs=[pl.BlockSpec((n_slot, TOK_TILE, SLOT_TILE // BLK),
                               lambda i: (0, i, 0))],
        out_specs=pl.BlockSpec((TOK_TILE, LANES), lambda i: (i, 0)),
        out_shape=jax.ShapeDtypeStruct((N, LANES), jnp.float32),
    )(bm3)

    cand = _sc_gather_candidates(dist, bm3, tau0)

    thr = pl.pallas_call(
        _rank_kernel,
        grid=(n_tok,),
        in_specs=[pl.BlockSpec((TOK_TILE, K_BIG * BLK), lambda i: (i, 0))],
        out_specs=pl.BlockSpec((TOK_TILE, LANES), lambda i: (i, 0)),
        out_shape=jax.ShapeDtypeStruct((N, LANES), jnp.float32),
    )(cand)

    out = pl.pallas_call(
        _attend_kernel,
        grid=(n_tok, n_slot),
        in_specs=[
            pl.BlockSpec((TOK_TILE, SLOT_TILE), lambda i, j: (i, j)),
            pl.BlockSpec((TOK_TILE, LANES), lambda i, j: (i, 0)),
            pl.BlockSpec((TOK_TILE, 1), lambda i, j: (i, 0)),
            pl.BlockSpec((1, N), lambda i, j: (0, 0)),
            pl.BlockSpec((SLOT_TILE, H), lambda i, j: (j, 0)),
            pl.BlockSpec((INPUT_DIM, H), lambda i, j: (0, 0)),
            pl.BlockSpec((1, INPUT_DIM), lambda i, j: (0, 0)),
            pl.BlockSpec((1, INPUT_DIM), lambda i, j: (0, 0)),
            pl.BlockSpec((1, INPUT_DIM), lambda i, j: (0, 0)),
        ],
        out_specs=pl.BlockSpec((TOK_TILE, INPUT_DIM), lambda i, j: (i, 0)),
        out_shape=jax.ShapeDtypeStruct((N, INPUT_DIM), jnp.float32),
        scratch_shapes=[
            pltpu.VMEM((TOK_TILE, H), jnp.float32),
            pltpu.VMEM((TOK_TILE, 1), jnp.float32),
            pltpu.VMEM((TOK_TILE, H), jnp.float32),
            pltpu.VMEM((TOK_TILE, 1), jnp.float32),
            pltpu.VMEM((TOK_TILE, 1), jnp.float32),
        ],
    )(dist, thr, d0, d0.reshape(1, N), memory_slots, W4,
      b4.reshape(1, INPUT_DIM), ln2_g.reshape(1, INPUT_DIM),
      ln2_b.reshape(1, INPUT_DIM))

    return out.reshape(B, S, INPUT_DIM)

# --- scband reference (transcript-rebuilt; emitter-appended) ---
"""Pipeline reference for scband-enhanced-cgmnmemory-11845519802577 (READ-ONLY COPY).

The authoritative reference and input builder live on the scoring server;
editing this copy changes nothing except your own understanding.
"""

import jax, jax.numpy as jnp
import numpy as np

D = 16
M = 16384
H = 64
K_BASE = 32
INPUT_DIM = 256
ODE_STEPS = 2
ODE_DT = 0.5
LB_MOMENTUM = 0.99
LB_DROP = 0.7
LB_TOP1_AVG0 = 1.0


def layer_norm(x, g, b, eps=1e-5):
    mu = jnp.mean(x, axis=-1, keepdims=True)
    var = jnp.mean((x - mu) ** 2, axis=-1, keepdims=True)
    return (x - mu) / jnp.sqrt(var + eps) * g + b


def fast_pairwise_l2(q, m):
    # q: (B, S, F), m: (M, F) -> (B, S, M) euclidean distances
    q2 = jnp.sum(q * q, axis=-1, keepdims=True)
    m2 = jnp.sum(m * m, axis=-1)
    cross = jnp.einsum('bsf,mf->bsm', q, m)
    d2 = q2 + m2[None, None, :] - 2.0 * cross
    return jnp.sqrt(jnp.clip(d2, 0.0, None))


def setup_inputs(seed=0):
    key = jax.random.key(seed)
    ks = jax.random.split(key, 12)
    inp = {}
    inp['x'] = jax.random.normal(ks[0], (16, 128, INPUT_DIM), dtype=jnp.float32)
    inp['W1'] = jax.random.normal(ks[1], (D * 3, INPUT_DIM), dtype=jnp.float32) / np.sqrt(INPUT_DIM)
    inp['b1'] = jnp.zeros((D * 3,), dtype=jnp.float32)
    inp['ln1_g'] = jnp.ones((D * 3,), dtype=jnp.float32)
    inp['ln1_b'] = jnp.zeros((D * 3,), dtype=jnp.float32)
    inp['memory_slots'] = jax.random.normal(ks[2], (M, H), dtype=jnp.float32)
    inp['positional_encoding'] = jax.random.normal(ks[3], (M, D, 3), dtype=jnp.float32)
    inp['curvature'] = jax.random.normal(ks[4], (M, D), dtype=jnp.float32)
    inp['curv_alpha'] = jnp.asarray(0.1, dtype=jnp.float32)
    inp['W2'] = jax.random.normal(ks[5], (128, D * 3), dtype=jnp.float32) / np.sqrt(D * 3)
    inp['b2'] = jnp.zeros((128,), dtype=jnp.float32)
    inp['W3'] = jax.random.normal(ks[6], (D * 3, 128), dtype=jnp.float32) / np.sqrt(128)
    inp['b3'] = jnp.zeros((D * 3,), dtype=jnp.float32)
    inp['W4'] = jax.random.normal(ks[7], (INPUT_DIM, H), dtype=jnp.float32) / np.sqrt(H)
    inp['b4'] = jnp.zeros((INPUT_DIM,), dtype=jnp.float32)
    inp['ln2_g'] = jnp.ones((INPUT_DIM,), dtype=jnp.float32)
    inp['ln2_b'] = jnp.zeros((INPUT_DIM,), dtype=jnp.float32)
    inp['temperature'] = jnp.asarray(1.0, dtype=jnp.float32)
    return inp


def _forward(x, W1, b1, ln1_g, ln1_b, memory_slots, positional_encoding, curvature, curv_alpha, W2, b2, W3, b3, W4, b4, ln2_g, ln2_b, temperature, K_fixed=None):
    B, S, _ = x.shape
    # manifold projection: Linear -> LayerNorm -> GELU, view (B,S,D,3)
    man = jax.nn.gelu(layer_norm(x @ W1.T + b1, ln1_g, ln1_b), approximate=False).reshape(B, S, D, 3)
    # ODE evolution
    ev = man
    for _ in range(ODE_STEPS):
        flat = ev.reshape(B, S, D * 3)
        dx = jnp.tanh(flat @ W2.T + b2) @ W3.T + b3
        ev = ev + ODE_DT * dx.reshape(B, S, D, 3)
    # attend: distances between detached evolved positions and slot positions
    mem_pos = positional_encoding.reshape(M, D * 3)
    q = jax.lax.stop_gradient(ev.reshape(B, S, D * 3))
    dist = fast_pairwise_l2(q, mem_pos)
    dist = dist / jnp.maximum(temperature, 1e-6)
    curv_w = jnp.exp(-curv_alpha * jnp.linalg.norm(curvature, axis=-1))
    dist = dist * curv_w[None, None, :]

    def attend_with(dtop, itop):
        w = jax.nn.softmax(-dtop, axis=-1)
        mem = memory_slots[itop]  # gather: (B, S, K, H)
        return jnp.sum(w[..., None] * mem, axis=2)

    if K_fixed is None:
        K = max(1, min(K_BASE, M))
        K_big = min(M, max(K, int(K_BASE * 1.5)))
        neg_dtop, itop = jax.lax.top_k(-dist, K_big)
        dtop = -neg_dtop
        top1 = jnp.mean(jnp.mean(dtop[..., 0], axis=1), axis=0)
        lb_new = LB_MOMENTUM * LB_TOP1_AVG0 + (1.0 - LB_MOMENTUM) * top1
        internal_fire = top1 < LB_DROP * lb_new
        attended_small = attend_with(dtop[..., :K], itop[..., :K])
        attended_big = attend_with(dtop, itop)
        attended = jnp.where(internal_fire, attended_big, attended_small)
        K_out = jnp.where(internal_fire, K_big, K)
    else:
        K = K_fixed
        neg_dtop, itop = jax.lax.top_k(-dist, K)
        attended = attend_with(-neg_dtop, itop)
        K_out = K
    out = jax.nn.gelu(layer_norm(attended @ W4.T + b4, ln2_g, ln2_b), approximate=False)
    return out, K_out


def reference(x, W1, b1, ln1_g, ln1_b, memory_slots, positional_encoding, curvature, curv_alpha, W2, b2, W3, b3, W4, b4, ln2_g, ln2_b, temperature):
    # operation='read' path
    return _forward(x, W1, b1, ln1_g, ln1_b, memory_slots, positional_encoding, curvature, curv_alpha, W2, b2, W3, b3, W4, b4, ln2_g, ln2_b, temperature)[0]

if __name__ == "__main__":
    import jax
    _d = setup_inputs()
    print(jax.jit(kernel)(*tuple(_d.values())))

</pallas_src>

<mosaic_0001>
#map = affine_map<(d0, d1) -> (0)>
#map1 = affine_map<(d0, d1) -> (0, 0, 0)>
#map2 = affine_map<(d0, d1) -> (0, 0)>
module attributes {stable_mosaic.version = 14 : i64} {
  func.func @_sc_body(%arg0: i32, %arg1: i32, %arg2: memref<33554432xf32, #tpu.memory_space<hbm>>, %arg3: memref<8x2048x64xf32, #tpu.memory_space<hbm>>, %arg4: memref<2048x16xf32, #tpu.memory_space<hbm>>, %arg5: memref<2048x1536xf32, #tpu.memory_space<hbm>>, %arg6: memref<8x64x64xf32, #tpu.memory_space<vmem>>, %arg7: memref<1536xf32, #tpu.memory_space<vmem>>, %arg8: memref<64x16xf32, #tpu.memory_space<vmem>>, %arg9: memref<64xi32, #tpu.memory_space<smem>>, %arg10: memref<!tpu.dma_semaphore, #tpu.memory_space<semaphore_mem>>) attributes {dimension_semantics = [#tpu.dimension_semantics<core_parallel>, #tpu.dimension_semantics<subcore_parallel>], iteration_bounds = array<i64: 2, 16>, scalar_prefetch = 0 : i64, scratch_operands = 5 : i64, tpu.core_type = #tpu.core_type<sc_vector_subcore>, window_params = [{transform_indices = #map}, {transform_indices = #map1}, {transform_indices = #map2}, {transform_indices = #map2}]} {
    %mul3A = arith.constant 2 : i32
    %mul3A_0 = arith.muli %arg1, %mul3A : i32
    %add3A = arith.addi %mul3A_0, %arg0 : i32
    %mul3A_1 = arith.constant 64 : i32
    %mul3A_2 = arith.muli %add3A, %mul3A_1 : i32
    "tpu.region"() ({
      %run_scoped3A = tpu.sem_alloc : memref<!tpu.dma_semaphore, #tpu.memory_space<semaphore_mem>>
      %dma_start3A = arith.constant 0 : i32
      %dma_start3A_9 = arith.constant 0 : i32
      %dma_start3A_10 = tpu.memref_slice %arg3[%dma_start3A, %mul3A_2, %dma_start3A_9] : memref<8x2048x64xf32, #tpu.memory_space<hbm>> -> memref<8x64x64xf32, #tpu.memory_space<hbm>>
      %dma_start3A_11 = arith.constant 0 : i32
      %dma_start3A_12 = arith.constant 0 : i32
      %dma_start3A_13 = tpu.memref_slice %arg3[%dma_start3A_11, %mul3A_2, %dma_start3A_12] : memref<8x2048x64xf32, #tpu.memory_space<hbm>> -> memref<8x64x64xf32, #tpu.memory_space<hbm>>
      tpu.enqueue_dma source(%dma_start3A_13 : memref<8x64x64xf32, #tpu.memory_space<hbm>>) target(%arg6 : memref<8x64x64xf32, #tpu.memory_space<vmem>>) target_semaphore(%run_scoped3A : memref<!tpu.dma_semaphore, #tpu.memory_space<semaphore_mem>>)
      %dma_wait3A = arith.constant 0 : i32
      %dma_wait3A_14 = arith.constant 0 : i32
      %dma_wait3A_15 = tpu.memref_slice %arg3[%dma_wait3A, %mul3A_2, %dma_wait3A_14] : memref<8x2048x64xf32, #tpu.memory_space<hbm>> -> memref<8x64x64xf32, #tpu.memory_space<hbm>>
      %dma_wait3A_16 = arith.constant 0 : i32
      %dma_wait3A_17 = arith.constant 0 : i32
      %dma_wait3A_18 = tpu.memref_slice %arg3[%dma_wait3A_16, %mul3A_2, %dma_wait3A_17] : memref<8x2048x64xf32, #tpu.memory_space<hbm>> -> memref<8x64x64xf32, #tpu.memory_space<hbm>>
      tpu.wait_dma2 semaphore(%run_scoped3A : memref<!tpu.dma_semaphore, #tpu.memory_space<semaphore_mem>>) src(%dma_wait3A_18 : memref<8x64x64xf32, #tpu.memory_space<hbm>>) dst(%arg6 : memref<8x64x64xf32, #tpu.memory_space<vmem>>)
      tpu.yield
    }) : () -> ()
    "tpu.region"() ({
      %run_scoped3A = tpu.sem_alloc : memref<!tpu.dma_semaphore, #tpu.memory_space<semaphore_mem>>
      %dma_start3A = arith.constant 0 : i32
      %dma_start3A_9 = tpu.memref_slice %arg4[%mul3A_2, %dma_start3A] : memref<2048x16xf32, #tpu.memory_space<hbm>> -> memref<64x16xf32, #tpu.memory_space<hbm>>
      %dma_start3A_10 = arith.constant 0 : i32
      %dma_start3A_11 = tpu.memref_slice %arg4[%mul3A_2, %dma_start3A_10] : memref<2048x16xf32, #tpu.memory_space<hbm>> -> memref<64x16xf32, #tpu.memory_space<hbm>>
      tpu.enqueue_dma source(%dma_start3A_11 : memref<64x16xf32, #tpu.memory_space<hbm>>) target(%arg8 : memref<64x16xf32, #tpu.memory_space<vmem>>) target_semaphore(%run_scoped3A : memref<!tpu.dma_semaphore, #tpu.memory_space<semaphore_mem>>)
      %dma_wait3A = arith.constant 0 : i32
      %dma_wait3A_12 = tpu.memref_slice %arg4[%mul3A_2, %dma_wait3A] : memref<2048x16xf32, #tpu.memory_space<hbm>> -> memref<64x16xf32, #tpu.memory_space<hbm>>
      %dma_wait3A_13 = arith.constant 0 : i32
      %dma_wait3A_14 = tpu.memref_slice %arg4[%mul3A_2, %dma_wait3A_13] : memref<2048x16xf32, #tpu.memory_space<hbm>> -> memref<64x16xf32, #tpu.memory_space<hbm>>
      tpu.wait_dma2 semaphore(%run_scoped3A : memref<!tpu.dma_semaphore, #tpu.memory_space<semaphore_mem>>) src(%dma_wait3A_14 : memref<64x16xf32, #tpu.memory_space<hbm>>) dst(%arg8 : memref<64x16xf32, #tpu.memory_space<vmem>>)
      tpu.yield
    }) : () -> ()
    %scan3A = arith.constant 0 : i32
    %scan3A_3 = arith.constant 0 : i32
    %scan3A_4 = arith.constant 64 : i32
    %scan3A_5 = arith.addi %scan3A_3, %scan3A_4 : i32
    %scan3A_6 = arith.constant 1 : i32
    %scan3A_7 = scf.for %scan3A_9 = %scan3A_3 to %scan3A_5 step %scan3A_6 iter_args(%scan3A_10 = %scan3A) -> (i32)  : i32 {
      %add3A_11 = arith.addi %mul3A_2, %scan3A_9 : i32
      %get3A = arith.index_cast %scan3A_9 : i32 to index
      %get3A_12 = arith.constant 0 : index
      %get3A_13 = tpu.vector_load %arg8[%get3A, %get3A_12] {strides = array<i32>} : memref<64x16xf32, #tpu.memory_space<vmem>>, vector<1x16xf32>,
      %get3A_14 = vector.shape_cast %get3A_13 : vector<1x16xf32> to vector<16xf32>
      %slice3A = vector.extract_strided_slice %get3A_14 {offsets = [0], sizes = [1], strides = [1]} : vector<16xf32> to vector<1xf32>
      %squeeze3A = vector.extract %slice3A[0] : f32 from vector<1xf32>
      %scan3A_15 = arith.constant 0 : i32
      %scan3A_16 = arith.constant 0 : i32
      %scan3A_17 = arith.constant 32 : i32
      %scan3A_18 = arith.addi %scan3A_16, %scan3A_17 : i32
      %scan3A_19 = arith.constant 1 : i32
      %scan3A_20 = scf.for %scan3A_37 = %scan3A_16 to %scan3A_18 step %scan3A_19 iter_args(%scan3A_38 = %scan3A_15) -> (i32)  : i32 {
        %jit3A = arith.constant 4 : i32
        %div3A = arith.divsi %scan3A_37, %jit3A : i32
        %sign3A = arith.constant 0 : i32
        %sign3A_39 = arith.cmpi sgt, %scan3A_37, %sign3A : i32
        %sign3A_40 = arith.extui %sign3A_39 : i1 to i32
        %sign3A_41 = arith.constant 0 : i32
        %sign3A_42 = arith.cmpi slt, %scan3A_37, %sign3A_41 : i32
        %sign3A_43 = arith.extui %sign3A_42 : i1 to i32
        %sign3A_44 = arith.subi %sign3A_40, %sign3A_43 : i32
        %sign3A_45 = arith.constant 0 : i32
        %sign3A_46 = arith.cmpi sgt, %jit3A, %sign3A_45 : i32
        %sign3A_47 = arith.extui %sign3A_46 : i1 to i32
        %sign3A_48 = arith.constant 0 : i32
        %sign3A_49 = arith.cmpi slt, %jit3A, %sign3A_48 : i32
        %sign3A_50 = arith.extui %sign3A_49 : i1 to i32
        %sign3A_51 = arith.subi %sign3A_47, %sign3A_50 : i32
        %ne3A = arith.cmpi ne, %sign3A_44, %sign3A_51 : i32
        %rem3A = arith.remsi %scan3A_37, %jit3A : i32
        %ne3A_52 = arith.constant 0 : i32
        %ne3A_53 = arith.cmpi ne, %rem3A, %ne3A_52 : i32
        %and3A = arith.andi %ne3A, %ne3A_53 : i1
        %sub3A = arith.constant 1 : i32
        %sub3A_54 = arith.subi %div3A, %sub3A : i32
        %select_n3A = arith.select %and3A, %sub3A_54, %div3A : i32
        %jit3A_55 = arith.constant 4 : i32
        %eq3A = arith.constant 0 : i32
        %eq3A_56 = arith.cmpi eq, %jit3A_55, %eq3A : i32
        %jit3A_57 = arith.constant 1 : i32
        %select_n3A_58 = arith.select %eq3A_56, %jit3A_57, %jit3A_55 : i32
        %rem3A_59 = arith.remsi %scan3A_37, %select_n3A_58 : i32
        %ne3A_60 = arith.constant 0 : i32
        %ne3A_61 = arith.cmpi ne, %rem3A_59, %ne3A_60 : i32
        %lt3A = arith.constant 0 : i32
        %lt3A_62 = arith.cmpi slt, %rem3A_59, %lt3A : i32
        %lt3A_63 = arith.constant 0 : i32
        %lt3A_64 = arith.cmpi slt, %select_n3A_58, %lt3A_63 : i32
        %ne3A_65 = arith.xori %lt3A_62, %lt3A_64 : i1
        %and3A_66 = arith.andi %ne3A_65, %ne3A_61 : i1
        %add3A_67 = arith.addi %rem3A_59, %select_n3A_58 : i32
        %select_n3A_68 = arith.select %and3A_66, %add3A_67, %rem3A_59 : i32
        %mul3A_69 = arith.constant 16 : i32
        %mul3A_70 = arith.muli %select_n3A_68, %mul3A_69 : i32
        %get3A_71 = arith.index_cast %select_n3A : i32 to index
        %get3A_72 = arith.index_cast %scan3A_9 : i32 to index
        %get3A_73 = arith.index_cast %mul3A_70 : i32 to index
        %get3A_74 = tpu.vector_load %arg6[%get3A_71, %get3A_72, %get3A_73] {strides = array<i32>} : memref<8x64x64xf32, #tpu.memory_space<vmem>>, vector<1x1x16xf32>,
        %get3A_75 = vector.shape_cast %get3A_74 : vector<1x1x16xf32> to vector<16xf32>
        %mul3A_76 = arith.constant 64 : i32
        %mul3A_77 = arith.muli %select_n3A, %mul3A_76 : i32
        %add3A_78 = arith.addi %mul3A_77, %mul3A_70 : i32
        %add3A_79 = arith.constant 0 : i32
        %add3A_80 = arith.addi %add3A_78, %add3A_79 : i32
        %swap3A = arith.index_cast %scan3A_38 : i32 to index
        %swap3A_81 = memref.load %arg9[%swap3A] : memref<64xi32, #tpu.memory_space<smem>>
        memref.store %add3A_80, %arg9[%swap3A] : memref<64xi32, #tpu.memory_space<smem>>
        %slice3A_82 = vector.extract_strided_slice %get3A_75 {offsets = [0], sizes = [1], strides = [1]} : vector<16xf32> to vector<1xf32>
        %squeeze3A_83 = vector.extract %slice3A_82[0] : f32 from vector<1xf32>
        %le3A = arith.cmpf ole, %squeeze3A_83, %squeeze3A : f32
        %convert_element_type3A = arith.extui %le3A : i1 to i32
        %add3A_84 = arith.addi %scan3A_38, %convert_element_type3A : i32
        %min3A = arith.constant 48 : i32
        %min3A_85 = arith.minsi %add3A_84, %min3A : i32
        %mul3A_86 = arith.constant 64 : i32
        %mul3A_87 = arith.muli %select_n3A, %mul3A_86 : i32
        %add3A_88 = arith.addi %mul3A_87, %mul3A_70 : i32
        %add3A_89 = arith.constant 1 : i32
        %add3A_90 = arith.addi %add3A_88, %add3A_89 : i32
        %swap3A_91 = arith.index_cast %min3A_85 : i32 to index
        %swap3A_92 = memref.load %arg9[%swap3A_91] : memref<64xi32, #tpu.memory_space<smem>>
        memref.store %add3A_90, %arg9[%swap3A_91] : memref<64xi32, #tpu.memory_space<smem>>
        %slice3A_93 = vector.extract_strided_slice %get3A_75 {offsets = [1], sizes = [1], strides = [1]} : vector<16xf32> to vector<1xf32>
        %squeeze3A_94 = vector.extract %slice3A_93[0] : f32 from vector<1xf32>
        %le3A_95 = arith.cmpf ole, %squeeze3A_94, %squeeze3A : f32
        %convert_element_type3A_96 = arith.extui %le3A_95 : i1 to i32
        %add3A_97 = arith.addi %min3A_85, %convert_element_type3A_96 : i32
        %min3A_98 = arith.constant 48 : i32
        %min3A_99 = arith.minsi %add3A_97, %min3A_98 : i32
        %mul3A_100 = arith.constant 64 : i32
        %mul3A_101 = arith.muli %select_n3A, %mul3A_100 : i32
        %add3A_102 = arith.addi %mul3A_101, %mul3A_70 : i32
        %add3A_103 = arith.constant 2 : i32
        %add3A_104 = arith.addi %add3A_102, %add3A_103 : i32
        %swap3A_105 = arith.index_cast %min3A_99 : i32 to index
        %swap3A_106 = memref.load %arg9[%swap3A_105] : memref<64xi32, #tpu.memory_space<smem>>
        memref.store %add3A_104, %arg9[%swap3A_105] : memref<64xi32, #tpu.memory_space<smem>>
        %slice3A_107 = vector.extract_strided_slice %get3A_75 {offsets = [2], sizes = [1], strides = [1]} : vector<16xf32> to vector<1xf32>
        %squeeze3A_108 = vector.extract %slice3A_107[0] : f32 from vector<1xf32>
        %le3A_109 = arith.cmpf ole, %squeeze3A_108, %squeeze3A : f32
        %convert_element_type3A_110 = arith.extui %le3A_109 : i1 to i32
        %add3A_111 = arith.addi %min3A_99, %convert_element_type3A_110 : i32
        %min3A_112 = arith.constant 48 : i32
        %min3A_113 = arith.minsi %add3A_111, %min3A_112 : i32
        %mul3A_114 = arith.constant 64 : i32
        %mul3A_115 = arith.muli %select_n3A, %mul3A_114 : i32
        %add3A_116 = arith.addi %mul3A_115, %mul3A_70 : i32
        %add3A_117 = arith.constant 3 : i32
        %add3A_118 = arith.addi %add3A_116, %add3A_117 : i32
        %swap3A_119 = arith.index_cast %min3A_113 : i32 to index
        %swap3A_120 = memref.load %arg9[%swap3A_119] : memref<64xi32, #tpu.memory_space<smem>>
        memref.store %add3A_118, %arg9[%swap3A_119] : memref<64xi32, #tpu.memory_space<smem>>
        %slice3A_121 = vector.extract_strided_slice %get3A_75 {offsets = [3], sizes = [1], strides = [1]} : vector<16xf32> to vector<1xf32>
        %squeeze3A_122 = vector.extract %slice3A_121[0] : f32 from vector<1xf32>
        %le3A_123 = arith.cmpf ole, %squeeze3A_122, %squeeze3A : f32
        %convert_element_type3A_124 = arith.extui %le3A_123 : i1 to i32
        %add3A_125 = arith.addi %min3A_113, %convert_element_type3A_124 : i32
        %min3A_126 = arith.constant 48 : i32
        %min3A_127 = arith.minsi %add3A_125, %min3A_126 : i32
        %mul3A_128 = arith.constant 64 : i32
        %mul3A_129 = arith.muli %select_n3A, %mul3A_128 : i32
        %add3A_130 = arith.addi %mul3A_129, %mul3A_70 : i32
        %add3A_131 = arith.constant 4 : i32
        %add3A_132 = arith.addi %add3A_130, %add3A_131 : i32
        %swap3A_133 = arith.index_cast %min3A_127 : i32 to index
        %swap3A_134 = memref.load %arg9[%swap3A_133] : memref<64xi32, #tpu.memory_space<smem>>
        memref.store %add3A_132, %arg9[%swap3A_133] : memref<64xi32, #tpu.memory_space<smem>>
        %slice3A_135 = vector.extract_strided_slice %get3A_75 {offsets = [4], sizes = [1], strides = [1]} : vector<16xf32> to vector<1xf32>
        %squeeze3A_136 = vector.extract %slice3A_135[0] : f32 from vector<1xf32>
        %le3A_137 = arith.cmpf ole, %squeeze3A_136, %squeeze3A : f32
        %convert_element_type3A_138 = arith.extui %le3A_137 : i1 to i32
        %add3A_139 = arith.addi %min3A_127, %convert_element_type3A_138 : i32
        %min3A_140 = arith.constant 48 : i32
        %min3A_141 = arith.minsi %add3A_139, %min3A_140 : i32
        %mul3A_142 = arith.constant 64 : i32
        %mul3A_143 = arith.muli %select_n3A, %mul3A_142 : i32
        %add3A_144 = arith.addi %mul3A_143, %mul3A_70 : i32
        %add3A_145 = arith.constant 5 : i32
        %add3A_146 = arith.addi %add3A_144, %add3A_145 : i32
        %swap3A_147 = arith.index_cast %min3A_141 : i32 to index
        %swap3A_148 = memref.load %arg9[%swap3A_147] : memref<64xi32, #tpu.memory_space<smem>>
        memref.store %add3A_146, %arg9[%swap3A_147] : memref<64xi32, #tpu.memory_space<smem>>
        %slice3A_149 = vector.extract_strided_slice %get3A_75 {offsets = [5], sizes = [1], strides = [1]} : vector<16xf32> to vector<1xf32>
        %squeeze3A_150 = vector.extract %slice3A_149[0] : f32 from vector<1xf32>
        %le3A_151 = arith.cmpf ole, %squeeze3A_150, %squeeze3A : f32
        %convert_element_type3A_152 = arith.extui %le3A_151 : i1 to i32
        %add3A_153 = arith.addi %min3A_141, %convert_element_type3A_152 : i32
        %min3A_154 = arith.constant 48 : i32
        %min3A_155 = arith.minsi %add3A_153, %min3A_154 : i32
        %mul3A_156 = arith.constant 64 : i32
        %mul3A_157 = arith.muli %select_n3A, %mul3A_156 : i32
        %add3A_158 = arith.addi %mul3A_157, %mul3A_70 : i32
        %add3A_159 = arith.constant 6 : i32
        %add3A_160 = arith.addi %add3A_158, %add3A_159 : i32
        %swap3A_161 = arith.index_cast %min3A_155 : i32 to index
        %swap3A_162 = memref.load %arg9[%swap3A_161] : memref<64xi32, #tpu.memory_space<smem>>
        memref.store %add3A_160, %arg9[%swap3A_161] : memref<64xi32, #tpu.memory_space<smem>>
        %slice3A_163 = vector.extract_strided_slice %get3A_75 {offsets = [6], sizes = [1], strides = [1]} : vector<16xf32> to vector<1xf32>
        %squeeze3A_164 = vector.extract %slice3A_163[0] : f32 from vector<1xf32>
        %le3A_165 = arith.cmpf ole, %squeeze3A_164, %squeeze3A : f32
        %convert_element_type3A_166 = arith.extui %le3A_165 : i1 to i32
        %add3A_167 = arith.addi %min3A_155, %convert_element_type3A_166 : i32
        %min3A_168 = arith.constant 48 : i32
        %min3A_169 = arith.minsi %add3A_167, %min3A_168 : i32
        %mul3A_170 = arith.constant 64 : i32
        %mul3A_171 = arith.muli %select_n3A, %mul3A_170 : i32
        %add3A_172 = arith.addi %mul3A_171, %mul3A_70 : i32
        %add3A_173 = arith.constant 7 : i32
        %add3A_174 = arith.addi %add3A_172, %add3A_173 : i32
        %swap3A_175 = arith.index_cast %min3A_169 : i32 to index
        %swap3A_176 = memref.load %arg9[%swap3A_175] : memref<64xi32, #tpu.memory_space<smem>>
        memref.store %add3A_174, %arg9[%swap3A_175] : memref<64xi32, #tpu.memory_space<smem>>
        %slice3A_177 = vector.extract_strided_slice %get3A_75 {offsets = [7], sizes = [1], strides = [1]} : vector<16xf32> to vector<1xf32>
        %squeeze3A_178 = vector.extract %slice3A_177[0] : f32 from vector<1xf32>
        %le3A_179 = arith.cmpf ole, %squeeze3A_178, %squeeze3A : f32
        %convert_element_type3A_180 = arith.extui %le3A_179 : i1 to i32
        %add3A_181 = arith.addi %min3A_169, %convert_element_type3A_180 : i32
        %min3A_182 = arith.constant 48 : i32
        %min3A_183 = arith.minsi %add3A_181, %min3A_182 : i32
        %mul3A_184 = arith.constant 64 : i32
        %mul3A_185 = arith.muli %select_n3A, %mul3A_184 : i32
        %add3A_186 = arith.addi %mul3A_185, %mul3A_70 : i32
        %add3A_187 = arith.constant 8 : i32
        %add3A_188 = arith.addi %add3A_186, %add3A_187 : i32
        %swap3A_189 = arith.index_cast %min3A_183 : i32 to index
        %swap3A_190 = memref.load %arg9[%swap3A_189] : memref<64xi32, #tpu.memory_space<smem>>
        memref.store %add3A_188, %arg9[%swap3A_189] : memref<64xi32, #tpu.memory_space<smem>>
        %slice3A_191 = vector.extract_strided_slice %get3A_75 {offsets = [8], sizes = [1], strides = [1]} : vector<16xf32> to vector<1xf32>
        %squeeze3A_192 = vector.extract %slice3A_191[0] : f32 from vector<1xf32>
        %le3A_193 = arith.cmpf ole, %squeeze3A_192, %squeeze3A : f32
        %convert_element_type3A_194 = arith.extui %le3A_193 : i1 to i32
        %add3A_195 = arith.addi %min3A_183, %convert_element_type3A_194 : i32
        %min3A_196 = arith.constant 48 : i32
        %min3A_197 = arith.minsi %add3A_195, %min3A_196 : i32
        %mul3A_198 = arith.constant 64 : i32
        %mul3A_199 = arith.muli %select_n3A, %mul3A_198 : i32
        %add3A_200 = arith.addi %mul3A_199, %mul3A_70 : i32
        %add3A_201 = arith.constant 9 : i32
        %add3A_202 = arith.addi %add3A_200, %add3A_201 : i32
        %swap3A_203 = arith.index_cast %min3A_197 : i32 to index
        %swap3A_204 = memref.load %arg9[%swap3A_203] : memref<64xi32, #tpu.memory_space<smem>>
        memref.store %add3A_202, %arg9[%swap3A_203] : memref<64xi32, #tpu.memory_space<smem>>
        %slice3A_205 = vector.extract_strided_slice %get3A_75 {offsets = [9], sizes = [1], strides = [1]} : vector<16xf32> to vector<1xf32>
        %squeeze3A_206 = vector.extract %slice3A_205[0] : f32 from vector<1xf32>
        %le3A_207 = arith.cmpf ole, %squeeze3A_206, %squeeze3A : f32
        %convert_element_type3A_208 = arith.extui %le3A_207 : i1 to i32
        %add3A_209 = arith.addi %min3A_197, %convert_element_type3A_208 : i32
        %min3A_210 = arith.constant 48 : i32
        %min3A_211 = arith.minsi %add3A_209, %min3A_210 : i32
        %mul3A_212 = arith.constant 64 : i32
        %mul3A_213 = arith.muli %select_n3A, %mul3A_212 : i32
        %add3A_214 = arith.addi %mul3A_213, %mul3A_70 : i32
        %add3A_215 = arith.constant 10 : i32
        %add3A_216 = arith.addi %add3A_214, %add3A_215 : i32
        %swap3A_217 = arith.index_cast %min3A_211 : i32 to index
        %swap3A_218 = memref.load %arg9[%swap3A_217] : memref<64xi32, #tpu.memory_space<smem>>
        memref.store %add3A_216, %arg9[%swap3A_217] : memref<64xi32, #tpu.memory_space<smem>>
        %slice3A_219 = vector.extract_strided_slice %get3A_75 {offsets = [10], sizes = [1], strides = [1]} : vector<16xf32> to vector<1xf32>
        %squeeze3A_220 = vector.extract %slice3A_219[0] : f32 from vector<1xf32>
        %le3A_221 = arith.cmpf ole, %squeeze3A_220, %squeeze3A : f32
        %convert_element_type3A_222 = arith.extui %le3A_221 : i1 to i32
        %add3A_223 = arith.addi %min3A_211, %convert_element_type3A_222 : i32
        %min3A_224 = arith.constant 48 : i32
        %min3A_225 = arith.minsi %add3A_223, %min3A_224 : i32
        %mul3A_226 = arith.constant 64 : i32
        %mul3A_227 = arith.muli %select_n3A, %mul3A_226 : i32
        %add3A_228 = arith.addi %mul3A_227, %mul3A_70 : i32
        %add3A_229 = arith.constant 11 : i32
        %add3A_230 = arith.addi %add3A_228, %add3A_229 : i32
        %swap3A_231 = arith.index_cast %min3A_225 : i32 to index
        %swap3A_232 = memref.load %arg9[%swap3A_231] : memref<64xi32, #tpu.memory_space<smem>>
        memref.store %add3A_230, %arg9[%swap3A_231] : memref<64xi32, #tpu.memory_space<smem>>
        %slice3A_233 = vector.extract_strided_slice %get3A_75 {offsets = [11], sizes = [1], strides = [1]} : vector<16xf32> to vector<1xf32>
        %squeeze3A_234 = vector.extract %slice3A_233[0] : f32 from vector<1xf32>
        %le3A_235 = arith.cmpf ole, %squeeze3A_234, %squeeze3A : f32
        %convert_element_type3A_236 = arith.extui %le3A_235 : i1 to i32
        %add3A_237 = arith.addi %min3A_225, %convert_element_type3A_236 : i32
        %min3A_238 = arith.constant 48 : i32
        %min3A_239 = arith.minsi %add3A_237, %min3A_238 : i32
        %mul3A_240 = arith.constant 64 : i32
        %mul3A_241 = arith.muli %select_n3A, %mul3A_240 : i32
        %add3A_242 = arith.addi %mul3A_241, %mul3A_70 : i32
        %add3A_243 = arith.constant 12 : i32
        %add3A_244 = arith.addi %add3A_242, %add3A_243 : i32
        %swap3A_245 = arith.index_cast %min3A_239 : i32 to index
        %swap3A_246 = memref.load %arg9[%swap3A_245] : memref<64xi32, #tpu.memory_space<smem>>
        memref.store %add3A_244, %arg9[%swap3A_245] : memref<64xi32, #tpu.memory_space<smem>>
        %slice3A_247 = vector.extract_strided_slice %get3A_75 {offsets = [12], sizes = [1], strides = [1]} : vector<16xf32> to vector<1xf32>
        %squeeze3A_248 = vector.extract %slice3A_247[0] : f32 from vector<1xf32>
        %le3A_249 = arith.cmpf ole, %squeeze3A_248, %squeeze3A : f32
        %convert_element_type3A_250 = arith.extui %le3A_249 : i1 to i32
        %add3A_251 = arith.addi %min3A_239, %convert_element_type3A_250 : i32
        %min3A_252 = arith.constant 48 : i32
        %min3A_253 = arith.minsi %add3A_251, %min3A_252 : i32
        %mul3A_254 = arith.constant 64 : i32
        %mul3A_255 = arith.muli %select_n3A, %mul3A_254 : i32
        %add3A_256 = arith.addi %mul3A_255, %mul3A_70 : i32
        %add3A_257 = arith.constant 13 : i32
        %add3A_258 = arith.addi %add3A_256, %add3A_257 : i32
        %swap3A_259 = arith.index_cast %min3A_253 : i32 to index
        %swap3A_260 = memref.load %arg9[%swap3A_259] : memref<64xi32, #tpu.memory_space<smem>>
        memref.store %add3A_258, %arg9[%swap3A_259] : memref<64xi32, #tpu.memory_space<smem>>
        %slice3A_261 = vector.extract_strided_slice %get3A_75 {offsets = [13], sizes = [1], strides = [1]} : vector<16xf32> to vector<1xf32>
        %squeeze3A_262 = vector.extract %slice3A_261[0] : f32 from vector<1xf32>
        %le3A_263 = arith.cmpf ole, %squeeze3A_262, %squeeze3A : f32
        %convert_element_type3A_264 = arith.extui %le3A_263 : i1 to i32
        %add3A_265 = arith.addi %min3A_253, %convert_element_type3A_264 : i32
        %min3A_266 = arith.constant 48 : i32
        %min3A_267 = arith.minsi %add3A_265, %min3A_266 : i32
        %mul3A_268 = arith.constant 64 : i32
        %mul3A_269 = arith.muli %select_n3A, %mul3A_268 : i32
        %add3A_270 = arith.addi %mul3A_269, %mul3A_70 : i32
        %add3A_271 = arith.constant 14 : i32
        %add3A_272 = arith.addi %add3A_270, %add3A_271 : i32
        %swap3A_273 = arith.index_cast %min3A_267 : i32 to index
        %swap3A_274 = memref.load %arg9[%swap3A_273] : memref<64xi32, #tpu.memory_space<smem>>
        memref.store %add3A_272, %arg9[%swap3A_273] : memref<64xi32, #tpu.memory_space<smem>>
        %slice3A_275 = vector.extract_strided_slice %get3A_75 {offsets = [14], sizes = [1], strides = [1]} : vector<16xf32> to vector<1xf32>
        %squeeze3A_276 = vector.extract %slice3A_275[0] : f32 from vector<1xf32>
        %le3A_277 = arith.cmpf ole, %squeeze3A_276, %squeeze3A : f32
        %convert_element_type3A_278 = arith.extui %le3A_277 : i1 to i32
        %add3A_279 = arith.addi %min3A_267, %convert_element_type3A_278 : i32
        %min3A_280 = arith.constant 48 : i32
        %min3A_281 = arith.minsi %add3A_279, %min3A_280 : i32
        %mul3A_282 = arith.constant 64 : i32
        %mul3A_283 = arith.muli %select_n3A, %mul3A_282 : i32
        %add3A_284 = arith.addi %mul3A_283, %mul3A_70 : i32
        %add3A_285 = arith.constant 15 : i32
        %add3A_286 = arith.addi %add3A_284, %add3A_285 : i32
        %swap3A_287 = arith.index_cast %min3A_281 : i32 to index
        %swap3A_288 = memref.load %arg9[%swap3A_287] : memref<64xi32, #tpu.memory_space<smem>>
        memref.store %add3A_286, %arg9[%swap3A_287] : memref<64xi32, #tpu.memory_space<smem>>
        %slice3A_289 = vector.extract_strided_slice %get3A_75 {offsets = [15], sizes = [1], strides = [1]} : vector<16xf32> to vector<1xf32>
        %squeeze3A_290 = vector.extract %slice3A_289[0] : f32 from vector<1xf32>
        %le3A_291 = arith.cmpf ole, %squeeze3A_290, %squeeze3A : f32
        %convert_element_type3A_292 = arith.extui %le3A_291 : i1 to i32
        %add3A_293 = arith.addi %min3A_281, %convert_element_type3A_292 : i32
        %min3A_294 = arith.constant 48 : i32
        %min3A_295 = arith.minsi %add3A_293, %min3A_294 : i32
        scf.yield %min3A_295 : i32
      }
      %scan3A_21 = arith.constant 32 : i32
      %scan3A_22 = arith.constant 0 : i32
      %scan3A_23 = arith.constant 0 : i32
      %scan3A_24 = arith.constant 48 : i32
      %scan3A_25 = arith.addi %scan3A_23, %scan3A_24 : i32
      %scan3A_26 = arith.constant 1 : i32
      %scan3A_27 = scf.for %scan3A_37 = %scan3A_23 to %scan3A_25 step %scan3A_26 iter_args(%scan3A_38 = %scan3A_22) -> (i32)  : i32 {
        %mul3A_39 = arith.constant 16384 : i32
        %mul3A_40 = arith.muli %add3A_11, %mul3A_39 : i32
        %get3A_41 = arith.index_cast %scan3A_37 : i32 to index
        %get3A_42 = memref.load %arg9[%get3A_41] : memref<64xi32, #tpu.memory_space<smem>>
        %mul3A_43 = arith.constant 32 : i32
        %mul3A_44 = arith.muli %get3A_42, %mul3A_43 : i32
        %add3A_45 = arith.addi %mul3A_40, %mul3A_44 : i32
        %mul3A_46 = arith.constant 32 : i32
        %mul3A_47 = arith.muli %scan3A_37, %mul3A_46 : i32
        %dma_start3A = tpu.memref_slice %arg7[%mul3A_47] : memref<1536xf32, #tpu.memory_space<vmem>> -> memref<32xf32, #tpu.memory_space<vmem>>
        %dma_start3A_48 = tpu.memref_slice %arg2[%add3A_45] : memref<33554432xf32, #tpu.memory_space<hbm>> -> memref<32xf32, #tpu.memory_space<hbm>>
        %dma_start3A_49 = tpu.memref_slice %arg7[%mul3A_47] : memref<1536xf32, #tpu.memory_space<vmem>> -> memref<32xf32, #tpu.memory_space<vmem>>
        %dma_start3A_50 = tpu.memref_slice %arg2[%add3A_45] : memref<33554432xf32, #tpu.memory_space<hbm>> -> memref<32xf32, #tpu.memory_space<hbm>>
        tpu.enqueue_dma source(%dma_start3A_50 : memref<32xf32, #tpu.memory_space<hbm>>) target(%dma_start3A_49 : memref<32xf32, #tpu.memory_space<vmem>>) target_semaphore(%arg10 : memref<!tpu.dma_semaphore, #tpu.memory_space<semaphore_mem>>)
        %add3A_51 = arith.constant 1 : i32
        %add3A_52 = arith.addi %scan3A_38, %add3A_51 : i32
        scf.yield %add3A_52 : i32
      }
      %scan3A_28 = arith.constant 48 : i32
      %scan3A_29 = arith.constant 0 : i32
      %scan3A_30 = arith.constant 0 : i32
      %scan3A_31 = arith.constant 48 : i32
      %scan3A_32 = arith.addi %scan3A_30, %scan3A_31 : i32
      %scan3A_33 = arith.constant 1 : i32
      %scan3A_34 = scf.for %scan3A_37 = %scan3A_30 to %scan3A_32 step %scan3A_33 iter_args(%scan3A_38 = %scan3A_29) -> (i32)  : i32 {
        %dma_wait3A = arith.constant 0 : i32
        %dma_wait3A_39 = tpu.memref_slice %arg7[%dma_wait3A] : memref<1536xf32, #tpu.memory_space<vmem>> -> memref<32xf32, #tpu.memory_space<vmem>>
        %dma_wait3A_40 = arith.constant 0 : i32
        %dma_wait3A_41 = tpu.memref_slice %arg2[%dma_wait3A_40] : memref<33554432xf32, #tpu.memory_space<hbm>> -> memref<32xf32, #tpu.memory_space<hbm>>
        %dma_wait3A_42 = arith.constant 0 : i32
        %dma_wait3A_43 = tpu.memref_slice %arg7[%dma_wait3A_42] : memref<1536xf32, #tpu.memory_space<vmem>> -> memref<32xf32, #tpu.memory_space<vmem>>
        %dma_wait3A_44 = arith.constant 0 : i32
        %dma_wait3A_45 = tpu.memref_slice %arg2[%dma_wait3A_44] : memref<33554432xf32, #tpu.memory_space<hbm>> -> memref<32xf32, #tpu.memory_space<hbm>>
        tpu.wait_dma2 semaphore(%arg10 : memref<!tpu.dma_semaphore, #tpu.memory_space<semaphore_mem>>) src(%dma_wait3A_45 : memref<32xf32, #tpu.memory_space<hbm>>) dst(%dma_wait3A_43 : memref<32xf32, #tpu.memory_space<vmem>>)
        %add3A_46 = arith.constant 1 : i32
        %add3A_47 = arith.addi %scan3A_38, %add3A_46 : i32
        scf.yield %add3A_47 : i32
      }
      %scan3A_35 = arith.constant 48 : i32
      "tpu.region"() ({
        %run_scoped3A = tpu.sem_alloc : memref<!tpu.dma_semaphore, #tpu.memory_space<semaphore_mem>>
        %dma_start3A = arith.constant 0 : i32
        %dma_start3A_37 = tpu.memref_slice %arg5[%add3A_11, %dma_start3A] : memref<2048x1536xf32, #tpu.memory_space<hbm>> -> memref<1x1536xf32, #tpu.memory_space<hbm>>
        %dma_start3A_38 = tpu.memref_squeeze %dma_start3A_37 : memref<1x1536xf32, #tpu.memory_space<hbm>> -> memref<1536xf32, #tpu.memory_space<hbm>>
        %dma_start3A_39 = arith.constant 0 : i32
        %dma_start3A_40 = tpu.memref_slice %arg5[%add3A_11, %dma_start3A_39] : memref<2048x1536xf32, #tpu.memory_space<hbm>> -> memref<1x1536xf32, #tpu.memory_space<hbm>>
        %dma_start3A_41 = tpu.memref_squeeze %dma_start3A_40 : memref<1x1536xf32, #tpu.memory_space<hbm>> -> memref<1536xf32, #tpu.memory_space<hbm>>
        tpu.enqueue_dma source(%arg7 : memref<1536xf32, #tpu.memory_space<vmem>>) target(%dma_start3A_41 : memref<1536xf32, #tpu.memory_space<hbm>>) target_semaphore(%run_scoped3A : memref<!tpu.dma_semaphore, #tpu.memory_space<semaphore_mem>>)
        %dma_wait3A = arith.constant 0 : i32
        %dma_wait3A_42 = tpu.memref_slice %arg5[%add3A_11, %dma_wait3A] : memref<2048x1536xf32, #tpu.memory_space<hbm>> -> memref<1x1536xf32, #tpu.memory_space<hbm>>
        %dma_wait3A_43 = tpu.memref_squeeze %dma_wait3A_42 : memref<1x1536xf32, #tpu.memory_space<hbm>> -> memref<1536xf32, #tpu.memory_space<hbm>>
        %dma_wait3A_44 = arith.constant 0 : i32
        %dma_wait3A_45 = tpu.memref_slice %arg5[%add3A_11, %dma_wait3A_44] : memref<2048x1536xf32, #tpu.memory_space<hbm>> -> memref<1x1536xf32, #tpu.memory_space<hbm>>
        %dma_wait3A_46 = tpu.memref_squeeze %dma_wait3A_45 : memref<1x1536xf32, #tpu.memory_space<hbm>> -> memref<1536xf32, #tpu.memory_space<hbm>>
        tpu.wait_dma2 semaphore(%run_scoped3A : memref<!tpu.dma_semaphore, #tpu.memory_space<semaphore_mem>>) src(%arg7 : memref<1536xf32, #tpu.memory_space<vmem>>) dst(%dma_wait3A_46 : memref<1536xf32, #tpu.memory_space<hbm>>)
        tpu.yield
      }) : () -> ()
      %scan3A_36 = arith.constant 0 : i32
      scf.yield %scan3A_36 : i32
    }
    %scan3A_8 = arith.constant 64 : i32
    return
  }
}

module attributes {stable_mosaic.version = 14 : i64} {
  func.func @_q_kernel(%arg0: i32, %arg1: memref<256x256xf32, #tpu.memory_space<vmem>>, %arg2: memref<48x256xf32, #tpu.memory_space<vmem>>, %arg3: memref<1x48xf32, #tpu.memory_space<vmem>>, %arg4: memref<1x48xf32, #tpu.memory_space<vmem>>, %arg5: memref<1x48xf32, #tpu.memory_space<vmem>>, %arg6: memref<128x48xf32, #tpu.memory_space<vmem>>, %arg7: memref<1x128xf32, #tpu.memory_space<vmem>>, %arg8: memref<48x128xf32, #tpu.memory_space<vmem>>, %arg9: memref<1x48xf32, #tpu.memory_space<vmem>>, %arg10: memref<256x48xf32, #tpu.memory_space<vmem>>) attributes {dimension_semantics = [#tpu.dimension_semantics<arbitrary>], iteration_bounds = array<i64: 8>, scalar_prefetch = 0 : i64, scratch_operands = 0 : i64, tpu.core_type = #tpu.core_type<tc>, window_params = [{transform_indices = @transform_0, window_bounds = array<i64: 256, 256>}, {pipeline_mode = #tpu.pipeline_mode<synchronous>, transform_indices = @transform_1, window_bounds = array<i64: 48, 256>}, {pipeline_mode = #tpu.pipeline_mode<synchronous>, transform_indices = @transform_2, window_bounds = array<i64: 1, 48>}, {pipeline_mode = #tpu.pipeline_mode<synchronous>, transform_indices = @transform_3, window_bounds = array<i64: 1, 48>}, {pipeline_mode = #tpu.pipeline_mode<synchronous>, transform_indices = @transform_4, window_bounds = array<i64: 1, 48>}, {pipeline_mode = #tpu.pipeline_mode<synchronous>, transform_indices = @transform_5, window_bounds = array<i64: 128, 48>}, {pipeline_mode = #tpu.pipeline_mode<synchronous>, transform_indices = @transform_6, window_bounds = array<i64: 1, 128>}, {pipeline_mode = #tpu.pipeline_mode<synchronous>, transform_indices = @transform_7, window_bounds = array<i64: 48, 128>}, {pipeline_mode = #tpu.pipeline_mode<synchronous>, transform_indices = @transform_8, window_bounds = array<i64: 1, 48>}, {transform_indices = @transform_9, window_bounds = array<i64: 256, 48>}]} {
    %get3A = arith.constant 0 : index
    %get3A_0 = arith.constant 0 : index
    %get3A_1 = vector.load %arg1[%get3A, %get3A_0] : memref<256x256xf32, #tpu.memory_space<vmem>>, vector<256x256xf32>
    %get3A_2 = arith.constant 0 : index
    %get3A_3 = arith.constant 0 : index
    %get3A_4 = vector.load %arg2[%get3A_2, %get3A_3] : memref<48x256xf32, #tpu.memory_space<vmem>>, vector<48x256xf32>
    %transpose3A = tpu.transpose %get3A_4, [1, 0] : vector<48x256xf32> -> vector<256x48xf32>
    %dot_general3A = arith.constant dense<0.000000e+00> : vector<256x48xf32>
    %dot_general3A_5 = tpu.matmul %get3A_1, %transpose3A, %dot_general3A {dimension_numbers = #tpu.dot_dimension_numbers<[1], [0], [0], [1], [0, 0, 1, 1], [], []>, transpose_lhs_hint = false} : vector<256x256xf32>, vector<256x48xf32>, vector<256x48xf32> -> vector<256x48xf32>
    %get3A_6 = arith.constant 0 : index
    %get3A_7 = arith.constant 0 : index
    %get3A_8 = vector.load %arg3[%get3A_6, %get3A_7] : memref<1x48xf32, #tpu.memory_space<vmem>>, vector<1x48xf32>
    %add3A = vector.broadcast %get3A_8 : vector<1x48xf32> to vector<256x48xf32>
    %add3A_9 = arith.addf %dot_general3A_5, %add3A : vector<256x48xf32>
    %get3A_10 = arith.constant 0 : index
    %get3A_11 = arith.constant 0 : index
    %get3A_12 = vector.load %arg4[%get3A_10, %get3A_11] : memref<1x48xf32, #tpu.memory_space<vmem>>, vector<1x48xf32>
    %get3A_13 = arith.constant 0 : index
    %get3A_14 = arith.constant 0 : index
    %get3A_15 = vector.load %arg5[%get3A_13, %get3A_14] : memref<1x48xf32, #tpu.memory_space<vmem>>, vector<1x48xf32>
    %reduce_sum3A = arith.constant dense<0.000000e+00> : vector<256xf32>
    %reduce_sum3A_16 = vector.multi_reduction <add>, %add3A_9, %reduce_sum3A [1] : vector<256x48xf32> to vector<256xf32>
    %broadcast_in_dim3A = vector.shape_cast %reduce_sum3A_16 : vector<256xf32> to vector<256x1xf32>
    %div3A = arith.constant 4.800000e+01 : f32
    %div3A_17 = vector.broadcast %div3A : f32 to vector<256x1xf32>
    %div3A_18 = arith.divf %broadcast_in_dim3A, %div3A_17 : vector<256x1xf32>
    %sub3A = vector.broadcast %div3A_18 : vector<256x1xf32> to vector<256x48xf32>
    %sub3A_19 = arith.subf %add3A_9, %sub3A : vector<256x48xf32>
    %integer_pow3A = arith.mulf %sub3A_19, %sub3A_19 : vector<256x48xf32>
    %reduce_sum3A_20 = arith.constant dense<0.000000e+00> : vector<256xf32>
    %reduce_sum3A_21 = vector.multi_reduction <add>, %integer_pow3A, %reduce_sum3A_20 [1] : vector<256x48xf32> to vector<256xf32>
    %broadcast_in_dim3A_22 = vector.shape_cast %reduce_sum3A_21 : vector<256xf32> to vector<256x1xf32>
    %div3A_23 = arith.constant 4.800000e+01 : f32
    %div3A_24 = vector.broadcast %div3A_23 : f32 to vector<256x1xf32>
    %div3A_25 = arith.divf %broadcast_in_dim3A_22, %div3A_24 : vector<256x1xf32>
    %sub3A_26 = vector.broadcast %div3A_18 : vector<256x1xf32> to vector<256x48xf32>
    %sub3A_27 = arith.subf %add3A_9, %sub3A_26 : vector<256x48xf32>
    %add3A_28 = arith.constant 9.99999974E-6 : f32
    %add3A_29 = vector.broadcast %add3A_28 : f32 to vector<256x1xf32>
    %add3A_30 = arith.addf %div3A_25, %add3A_29 : vector<256x1xf32>
    %rsqrt3A = math.rsqrt %add3A_30 : vector<256x1xf32>
    %mul3A = vector.broadcast %rsqrt3A : vector<256x1xf32> to vector<256x48xf32>
    %mul3A_31 = arith.mulf %sub3A_27, %mul3A : vector<256x48xf32>
    %mul3A_32 = vector.broadcast %get3A_12 : vector<1x48xf32> to vector<256x48xf32>
    %mul3A_33 = arith.mulf %mul3A_31, %mul3A_32 : vector<256x48xf32>
    %add3A_34 = vector.broadcast %get3A_15 : vector<1x48xf32> to vector<256x48xf32>
    %add3A_35 = arith.addf %mul3A_33, %add3A_34 : vector<256x48xf32>
    %mul3A_36 = arith.constant 5.000000e-01 : f32
    %mul3A_37 = vector.broadcast %mul3A_36 : f32 to vector<256x48xf32>
    %mul3A_38 = arith.mulf %add3A_35, %mul3A_37 : vector<256x48xf32>
    %mul3A_39 = arith.constant 0.707106769 : f32
    %mul3A_40 = vector.broadcast %mul3A_39 : f32 to vector<256x48xf32>
    %mul3A_41 = arith.mulf %add3A_35, %mul3A_40 : vector<256x48xf32>
    %erf3A = math.erf %mul3A_41 : vector<256x48xf32>
    %add3A_42 = arith.constant 1.000000e+00 : f32
    %add3A_43 = vector.broadcast %add3A_42 : f32 to vector<256x48xf32>
    %add3A_44 = arith.addf %add3A_43, %erf3A : vector<256x48xf32>
    %mul3A_45 = arith.mulf %mul3A_38, %add3A_44 : vector<256x48xf32>
    %get3A_46 = arith.constant 0 : index
    %get3A_47 = arith.constant 0 : index
    %get3A_48 = vector.load %arg6[%get3A_46, %get3A_47] : memref<128x48xf32, #tpu.memory_space<vmem>>, vector<128x48xf32>
    %transpose3A_49 = tpu.transpose %get3A_48, [1, 0] : vector<128x48xf32> -> vector<48x128xf32>
    %dot_general3A_50 = arith.constant dense<0.000000e+00> : vector<256x128xf32>
    %dot_general3A_51 = tpu.matmul %mul3A_45, %transpose3A_49, %dot_general3A_50 {dimension_numbers = #tpu.dot_dimension_numbers<[1], [0], [0], [1], [0, 0, 1, 1], [], []>, transpose_lhs_hint = false} : vector<256x48xf32>, vector<48x128xf32>, vector<256x128xf32> -> vector<256x128xf32>
    %get3A_52 = arith.constant 0 : index
    %get3A_53 = arith.constant 0 : index
    %get3A_54 = vector.load %arg7[%get3A_52, %get3A_53] : memref<1x128xf32, #tpu.memory_space<vmem>>, vector<1x128xf32>
    %add3A_55 = vector.broadcast %get3A_54 : vector<1x128xf32> to vector<256x128xf32>
    %add3A_56 = arith.addf %dot_general3A_51, %add3A_55 : vector<256x128xf32>
    %tanh3A = math.tanh %add3A_56 : vector<256x128xf32>
    %get3A_57 = arith.constant 0 : index
    %get3A_58 = arith.constant 0 : index
    %get3A_59 = vector.load %arg8[%get3A_57, %get3A_58] : memref<48x128xf32, #tpu.memory_space<vmem>>, vector<48x128xf32>
    %transpose3A_60 = tpu.transpose %get3A_59, [1, 0] : vector<48x128xf32> -> vector<128x48xf32>
    %dot_general3A_61 = arith.constant dense<0.000000e+00> : vector<256x48xf32>
    %dot_general3A_62 = tpu.matmul %tanh3A, %transpose3A_60, %dot_general3A_61 {dimension_numbers = #tpu.dot_dimension_numbers<[1], [0], [0], [1], [0, 0, 1, 1], [], []>, transpose_lhs_hint = false} : vector<256x128xf32>, vector<128x48xf32>, vector<256x48xf32> -> vector<256x48xf32>
    %get3A_63 = arith.constant 0 : index
    %get3A_64 = arith.constant 0 : index
    %get3A_65 = vector.load %arg9[%get3A_63, %get3A_64] : memref<1x48xf32, #tpu.memory_space<vmem>>, vector<1x48xf32>
    %add3A_66 = vector.broadcast %get3A_65 : vector<1x48xf32> to vector<256x48xf32>
    %add3A_67 = arith.addf %dot_general3A_62, %add3A_66 : vector<256x48xf32>
    %mul3A_68 = arith.constant 5.000000e-01 : f32
    %mul3A_69 = vector.broadcast %mul3A_68 : f32 to vector<256x48xf32>
    %mul3A_70 = arith.mulf %mul3A_69, %add3A_67 : vector<256x48xf32>
    %add3A_71 = arith.addf %mul3A_45, %mul3A_70 : vector<256x48xf32>
    %get3A_72 = arith.constant 0 : index
    %get3A_73 = arith.constant 0 : index
    %get3A_74 = vector.load %arg6[%get3A_72, %get3A_73] : memref<128x48xf32, #tpu.memory_space<vmem>>, vector<128x48xf32>
    %transpose3A_75 = tpu.transpose %get3A_74, [1, 0] : vector<128x48xf32> -> vector<48x128xf32>
    %dot_general3A_76 = arith.constant dense<0.000000e+00> : vector<256x128xf32>
    %dot_general3A_77 = tpu.matmul %add3A_71, %transpose3A_75, %dot_general3A_76 {dimension_numbers = #tpu.dot_dimension_numbers<[1], [0], [0], [1], [0, 0, 1, 1], [], []>, transpose_lhs_hint = false} : vector<256x48xf32>, vector<48x128xf32>, vector<256x128xf32> -> vector<256x128xf32>
    %get3A_78 = arith.constant 0 : index
    %get3A_79 = arith.constant 0 : index
    %get3A_80 = vector.load %arg7[%get3A_78, %get3A_79] : memref<1x128xf32, #tpu.memory_space<vmem>>, vector<1x128xf32>
    %add3A_81 = vector.broadcast %get3A_80 : vector<1x128xf32> to vector<256x128xf32>
    %add3A_82 = arith.addf %dot_general3A_77, %add3A_81 : vector<256x128xf32>
    %tanh3A_83 = math.tanh %add3A_82 : vector<256x128xf32>
    %get3A_84 = arith.constant 0 : index
    %get3A_85 = arith.constant 0 : index
    %get3A_86 = vector.load %arg8[%get3A_84, %get3A_85] : memref<48x128xf32, #tpu.memory_space<vmem>>, vector<48x128xf32>
    %transpose3A_87 = tpu.transpose %get3A_86, [1, 0] : vector<48x128xf32> -> vector<128x48xf32>
    %dot_general3A_88 = arith.constant dense<0.000000e+00> : vector<256x48xf32>
    %dot_general3A_89 = tpu.matmul %tanh3A_83, %transpose3A_87, %dot_general3A_88 {dimension_numbers = #tpu.dot_dimension_numbers<[1], [0], [0], [1], [0, 0, 1, 1], [], []>, transpose_lhs_hint = false} : vector<256x128xf32>, vector<128x48xf32>, vector<256x48xf32> -> vector<256x48xf32>
    %get3A_90 = arith.constant 0 : index
    %get3A_91 = arith.constant 0 : index
    %get3A_92 = vector.load %arg9[%get3A_90, %get3A_91] : memref<1x48xf32, #tpu.memory_space<vmem>>, vector<1x48xf32>
    %add3A_93 = vector.broadcast %get3A_92 : vector<1x48xf32> to vector<256x48xf32>
    %add3A_94 = arith.addf %dot_general3A_89, %add3A_93 : vector<256x48xf32>
    %mul3A_95 = arith.constant 5.000000e-01 : f32
    %mul3A_96 = vector.broadcast %mul3A_95 : f32 to vector<256x48xf32>
    %mul3A_97 = arith.mulf %mul3A_96, %add3A_94 : vector<256x48xf32>
    %add3A_98 = arith.addf %add3A_71, %mul3A_97 : vector<256x48xf32>
    %swap3A = arith.constant 0 : index
    %swap3A_99 = arith.constant 0 : index
    %swap3A_100 = vector.load %arg10[%swap3A, %swap3A_99] : memref<256x48xf32, #tpu.memory_space<vmem>>, vector<256x48xf32>
    tpu.vector_store %arg10[%swap3A, %swap3A_99], %add3A_98 {strides = array<i32>} : memref<256x48xf32, #tpu.memory_space<vmem>>, vector<256x48xf32>,
    return
  }
  func.func @transform_0(%arg0: i32) -> (i32, i32) {
    %c0_i32 = arith.constant 0 : i32
    %c0_i32_0 = arith.constant 0 : i32
    return %arg0, %c0_i32 : i32, i32
  }
  func.func @transform_1(%arg0: i32) -> (i32, i32) {
    %c0_i32 = arith.constant 0 : i32
    %c0_i32_0 = arith.constant 0 : i32
    %c0_i32_1 = arith.constant 0 : i32
    return %c0_i32, %c0_i32_0 : i32, i32
  }
  func.func @transform_2(%arg0: i32) -> (i32, i32) {
    %c0_i32 = arith.constant 0 : i32
    %c0_i32_0 = arith.constant 0 : i32
    %c0_i32_1 = arith.constant 0 : i32
    return %c0_i32, %c0_i32_0 : i32, i32
  }
  func.func @transform_3(%arg0: i32) -> (i32, i32) {
    %c0_i32 = arith.constant 0 : i32
    %c0_i32_0 = arith.constant 0 : i32
    %c0_i32_1 = arith.constant 0 : i32
    return %c0_i32, %c0_i32_0 : i32, i32
  }
  func.func @transform_4(%arg0: i32) -> (i32, i32) {
    %c0_i32 = arith.constant 0 : i32
    %c0_i32_0 = arith.constant 0 : i32
    %c0_i32_1 = arith.constant 0 : i32
    return %c0_i32, %c0_i32_0 : i32, i32
  }
  func.func @transform_5(%arg0: i32) -> (i32, i32) {
    %c0_i32 = arith.constant 0 : i32
    %c0_i32_0 = arith.constant 0 : i32
    %c0_i32_1 = arith.constant 0 : i32
    return %c0_i32, %c0_i32_0 : i32, i32
  }
  func.func @transform_6(%arg0: i32) -> (i32, i32) {
    %c0_i32 = arith.constant 0 : i32
    %c0_i32_0 = arith.constant 0 : i32
    %c0_i32_1 = arith.constant 0 : i32
    return %c0_i32, %c0_i32_0 : i32, i32
  }
  func.func @transform_7(%arg0: i32) -> (i32, i32) {
    %c0_i32 = arith.constant 0 : i32
    %c0_i32_0 = arith.constant 0 : i32
    %c0_i32_1 = arith.constant 0 : i32
    return %c0_i32, %c0_i32_0 : i32, i32
  }
  func.func @transform_8(%arg0: i32) -> (i32, i32) {
    %c0_i32 = arith.constant 0 : i32
    %c0_i32_0 = arith.constant 0 : i32
    %c0_i32_1 = arith.constant 0 : i32
    return %c0_i32, %c0_i32_0 : i32, i32
  }
  func.func @transform_9(%arg0: i32) -> (i32, i32) {
    %c0_i32 = arith.constant 0 : i32
    %c0_i32_0 = arith.constant 0 : i32
    return %arg0, %c0_i32 : i32, i32
  }
}

module attributes {stable_mosaic.version = 14 : i64} {
  func.func @_dist_kernel(%arg0: i32, %arg1: i32, %arg2: memref<256x48xf32, #tpu.memory_space<vmem>>, %arg3: memref<2048x48xf32, #tpu.memory_space<vmem>>, %arg4: memref<2048x16xf32, #tpu.memory_space<vmem>>, %arg5: memref<1x1xf32, #tpu.memory_space<smem>>, %arg6: memref<1x1xf32, #tpu.memory_space<smem>>, %arg7: memref<256x2048xf32, #tpu.memory_space<vmem>>, %arg8: memref<1x256x64xf32, #tpu.memory_space<vmem>>, %arg9: memref<256x1xf32, #tpu.memory_space<vmem>>) attributes {dimension_semantics = [#tpu.dimension_semantics<arbitrary>, #tpu.dimension_semantics<arbitrary>], iteration_bounds = array<i64: 8, 8>, scalar_prefetch = 0 : i64, scratch_operands = 0 : i64, tpu.core_type = #tpu.core_type<tc>, window_params = [{transform_indices = @transform_0, window_bounds = array<i64: 256, 48>}, {transform_indices = @transform_1, window_bounds = array<i64: 2048, 48>}, {transform_indices = @transform_2, window_bounds = array<i64: 2048, 16>}, {transform_indices = @transform_3, window_bounds = array<i64: 1, 1>}, {transform_indices = @transform_4, window_bounds = array<i64: 1, 1>}, {transform_indices = @transform_5, window_bounds = array<i64: 256, 2048>}, {transform_indices = @transform_6, window_bounds = array<i64: 1, 256, 64>}, {transform_indices = @transform_7, window_bounds = array<i64: 256, 1>}]} {
    %get3A = arith.constant 0 : index
    %get3A_0 = arith.constant 0 : index
    %get3A_1 = vector.load %arg2[%get3A, %get3A_0] : memref<256x48xf32, #tpu.memory_space<vmem>>, vector<256x48xf32>
    %get3A_2 = arith.constant 0 : index
    %get3A_3 = arith.constant 0 : index
    %get3A_4 = vector.load %arg3[%get3A_2, %get3A_3] : memref<2048x48xf32, #tpu.memory_space<vmem>>, vector<2048x48xf32>
    %get3A_5 = arith.constant 0 : index
    %get3A_6 = arith.constant 0 : index
    %get3A_7 = vector.load %arg4[%get3A_5, %get3A_6] : memref<2048x16xf32, #tpu.memory_space<vmem>>, vector<2048x16xf32>
    %get3A_8 = arith.constant 0 : index
    %get3A_9 = arith.constant 0 : index
    %get3A_10 = memref.load %arg5[%get3A_8, %get3A_9] : memref<1x1xf32, #tpu.memory_space<smem>>
    %get3A_11 = arith.constant 0 : index
    %get3A_12 = arith.constant 0 : index
    %get3A_13 = memref.load %arg6[%get3A_11, %get3A_12] : memref<1x1xf32, #tpu.memory_space<smem>>
    %mul3A = arith.mulf %get3A_1, %get3A_1 : vector<256x48xf32>
    %reduce_sum3A = arith.constant dense<0.000000e+00> : vector<256xf32>
    %reduce_sum3A_14 = vector.multi_reduction <add>, %mul3A, %reduce_sum3A [1] : vector<256x48xf32> to vector<256xf32>
    %broadcast_in_dim3A = vector.shape_cast %reduce_sum3A_14 : vector<256xf32> to vector<256x1xf32>
    %mul3A_15 = arith.mulf %get3A_4, %get3A_4 : vector<2048x48xf32>
    %reduce_sum3A_16 = arith.constant dense<0.000000e+00> : vector<2048xf32>
    %reduce_sum3A_17 = vector.multi_reduction <add>, %mul3A_15, %reduce_sum3A_16 [1] : vector<2048x48xf32> to vector<2048xf32>
    %transpose3A = tpu.transpose %get3A_4, [1, 0] : vector<2048x48xf32> -> vector<48x2048xf32>
    %dot_general3A = arith.constant dense<0.000000e+00> : vector<256x2048xf32>
    %dot_general3A_18 = tpu.matmul %get3A_1, %transpose3A, %dot_general3A {dimension_numbers = #tpu.dot_dimension_numbers<[1], [0], [0], [1], [0, 0, 1, 1], [], []>, transpose_lhs_hint = false} : vector<256x48xf32>, vector<48x2048xf32>, vector<256x2048xf32> -> vector<256x2048xf32>
    %broadcast_in_dim3A_19 = vector.shape_cast %reduce_sum3A_17 : vector<2048xf32> to vector<1x2048xf32>
    %add3A = vector.broadcast %broadcast_in_dim3A : vector<256x1xf32> to vector<256x2048xf32>
    %add3A_20 = vector.broadcast %broadcast_in_dim3A_19 : vector<1x2048xf32> to vector<256x2048xf32>
    %add3A_21 = arith.addf %add3A, %add3A_20 : vector<256x2048xf32>
    %mul3A_22 = arith.constant 2.000000e+00 : f32
    %mul3A_23 = vector.broadcast %mul3A_22 : f32 to vector<256x2048xf32>
    %mul3A_24 = arith.mulf %mul3A_23, %dot_general3A_18 : vector<256x2048xf32>
    %sub3A = arith.subf %add3A_21, %mul3A_24 : vector<256x2048xf32>
    %jit3A = arith.constant 0.000000e+00 : f32
    %max3A = vector.broadcast %jit3A : f32 to vector<256x2048xf32>
    %max3A_25 = arith.maximumf %max3A, %sub3A : vector<256x2048xf32>
    %sqrt3A = math.sqrt %max3A_25 : vector<256x2048xf32>
    %mul3A_26 = vector.broadcast %get3A_10 : f32 to vector<256x2048xf32>
    %mul3A_27 = arith.mulf %sqrt3A, %mul3A_26 : vector<256x2048xf32>
    %neg3A = arith.constant 0.000000e+00 : f32
    %neg3A_28 = arith.subf %neg3A, %get3A_13 : f32
    %mul3A_29 = arith.mulf %get3A_7, %get3A_7 : vector<2048x16xf32>
    %reduce_sum3A_30 = arith.constant dense<0.000000e+00> : vector<2048xf32>
    %reduce_sum3A_31 = vector.multi_reduction <add>, %mul3A_29, %reduce_sum3A_30 [1] : vector<2048x16xf32> to vector<2048xf32>
    %sqrt3A_32 = math.sqrt %reduce_sum3A_31 : vector<2048xf32>
    %mul3A_33 = vector.broadcast %neg3A_28 : f32 to vector<2048xf32>
    %mul3A_34 = arith.mulf %mul3A_33, %sqrt3A_32 : vector<2048xf32>
    %exp3A = math.exp %mul3A_34 : vector<2048xf32>
    %broadcast_in_dim3A_35 = vector.shape_cast %exp3A : vector<2048xf32> to vector<1x2048xf32>
    %mul3A_36 = vector.broadcast %broadcast_in_dim3A_35 : vector<1x2048xf32> to vector<256x2048xf32>
    %mul3A_37 = arith.mulf %mul3A_27, %mul3A_36 : vector<256x2048xf32>
    %swap3A = arith.constant 0 : index
    %swap3A_38 = arith.constant 0 : index
    %swap3A_39 = vector.load %arg7[%swap3A, %swap3A_38] : memref<256x2048xf32, #tpu.memory_space<vmem>>, vector<256x2048xf32>
    tpu.vector_store %arg7[%swap3A, %swap3A_38], %mul3A_37 {strides = array<i32>} : memref<256x2048xf32, #tpu.memory_space<vmem>>, vector<256x2048xf32>,
    %reshape3A = vector.shape_cast %mul3A_37 : vector<256x2048xf32> to vector<256x64x32xf32>
    %reduce_min3A = arith.constant dense<0x7F800000> : vector<256x64xf32>
    %reduce_min3A_40 = vector.multi_reduction <minimumf>, %reshape3A, %reduce_min3A [2] : vector<256x64x32xf32> to vector<256x64xf32>
    %swap3A_41 = arith.constant 0 : index
    %swap3A_42 = arith.constant 0 : index
    %swap3A_43 = arith.constant 0 : index
    %swap3A_44 = vector.load %arg8[%swap3A_41, %swap3A_42, %swap3A_43] : memref<1x256x64xf32, #tpu.memory_space<vmem>>, vector<1x256x64xf32>
    %swap3A_45 = vector.shape_cast %swap3A_44 : vector<1x256x64xf32> to vector<256x64xf32>
    %swap3A_46 = vector.shape_cast %reduce_min3A_40 : vector<256x64xf32> to vector<1x256x64xf32>
    tpu.vector_store %arg8[%swap3A_41, %swap3A_42, %swap3A_43], %swap3A_46 {strides = array<i32>} : memref<1x256x64xf32, #tpu.memory_space<vmem>>, vector<1x256x64xf32>,
    %reduce_min3A_47 = arith.constant dense<0x7F800000> : vector<256xf32>
    %reduce_min3A_48 = vector.multi_reduction <minimumf>, %mul3A_37, %reduce_min3A_47 [1] : vector<256x2048xf32> to vector<256xf32>
    %broadcast_in_dim3A_49 = vector.shape_cast %reduce_min3A_48 : vector<256xf32> to vector<256x1xf32>
    %eq3A = arith.constant 0 : i32
    %eq3A_50 = arith.cmpi eq, %arg1, %eq3A : i32
    %convert_element_type3A = arith.extui %eq3A_50 : i1 to i32
    %cond3A = arith.constant 0 : i32
    %cond3A_51 = arith.cmpi ne, %convert_element_type3A, %cond3A : i32
    scf.if %cond3A_51 {
      %swap3A_56 = arith.constant 0 : index
      %swap3A_57 = arith.constant 0 : index
      %swap3A_58 = vector.load %arg9[%swap3A_56, %swap3A_57] : memref<256x1xf32, #tpu.memory_space<vmem>>, vector<256x1xf32>
      tpu.vector_store %arg9[%swap3A_56, %swap3A_57], %broadcast_in_dim3A_49 {strides = array<i32>} : memref<256x1xf32, #tpu.memory_space<vmem>>, vector<256x1xf32>,
    } else {
    }
    %gt3A = arith.constant 0 : i32
    %gt3A_52 = arith.cmpi sgt, %arg1, %gt3A : i32
    %convert_element_type3A_53 = arith.extui %gt3A_52 : i1 to i32
    %cond3A_54 = arith.constant 0 : i32
    %cond3A_55 = arith.cmpi ne, %convert_element_type3A_53, %cond3A_54 : i32
    scf.if %cond3A_55 {
      %get3A_56 = arith.constant 0 : index
      %get3A_57 = arith.constant 0 : index
      %get3A_58 = vector.load %arg9[%get3A_56, %get3A_57] : memref<256x1xf32, #tpu.memory_space<vmem>>, vector<256x1xf32>
      %min3A = arith.minimumf %get3A_58, %broadcast_in_dim3A_49 : vector<256x1xf32>
      %swap3A_59 = arith.constant 0 : index
      %swap3A_60 = arith.constant 0 : index
      %swap3A_61 = vector.load %arg9[%swap3A_59, %swap3A_60] : memref<256x1xf32, #tpu.memory_space<vmem>>, vector<256x1xf32>
      tpu.vector_store %arg9[%swap3A_59, %swap3A_60], %min3A {strides = array<i32>} : memref<256x1xf32, #tpu.memory_space<vmem>>, vector<256x1xf32>,
    } else {
    }
    return
  }
  func.func @transform_0(%arg0: i32, %arg1: i32) -> (i32, i32) {
    %c0_i32 = arith.constant 0 : i32
    %c0_i32_0 = arith.constant 0 : i32
    return %arg0, %c0_i32 : i32, i32
  }
  func.func @transform_1(%arg0: i32, %arg1: i32) -> (i32, i32) {
    %c0_i32 = arith.constant 0 : i32
    %c0_i32_0 = arith.constant 0 : i32
    return %arg1, %c0_i32 : i32, i32
  }
  func.func @transform_2(%arg0: i32, %arg1: i32) -> (i32, i32) {
    %c0_i32 = arith.constant 0 : i32
    %c0_i32_0 = arith.constant 0 : i32
    return %arg1, %c0_i32 : i32, i32
  }
  func.func @transform_3(%arg0: i32, %arg1: i32) -> (i32, i32) {
    %c0_i32 = arith.constant 0 : i32
    %c0_i32_0 = arith.constant 0 : i32
    %c0_i32_1 = arith.constant 0 : i32
    return %c0_i32, %c0_i32_0 : i32, i32
  }
  func.func @transform_4(%arg0: i32, %arg1: i32) -> (i32, i32) {
    %c0_i32 = arith.constant 0 : i32
    %c0_i32_0 = arith.constant 0 : i32
    %c0_i32_1 = arith.constant 0 : i32
    return %c0_i32, %c0_i32_0 : i32, i32
  }
  func.func @transform_5(%arg0: i32, %arg1: i32) -> (i32, i32) {
    %c0_i32 = arith.constant 0 : i32
    return %arg0, %arg1 : i32, i32
  }
  func.func @transform_6(%arg0: i32, %arg1: i32) -> (i32, i32, i32) {
    %c0_i32 = arith.constant 0 : i32
    %c0_i32_0 = arith.constant 0 : i32
    return %arg1, %arg0, %c0_i32 : i32, i32, i32
  }
  func.func @transform_7(%arg0: i32, %arg1: i32) -> (i32, i32) {
    %c0_i32 = arith.constant 0 : i32
    %c0_i32_0 = arith.constant 0 : i32
    return %arg0, %c0_i32 : i32, i32
  }
}

module attributes {stable_mosaic.version = 14 : i64} {
  func.func @_tau0_kernel(%arg0: i32, %arg1: memref<8x256x64xf32, #tpu.memory_space<vmem>>, %arg2: memref<256x16xf32, #tpu.memory_space<vmem>>) attributes {dimension_semantics = [#tpu.dimension_semantics<arbitrary>], iteration_bounds = array<i64: 8>, scalar_prefetch = 0 : i64, scratch_operands = 0 : i64, tpu.core_type = #tpu.core_type<tc>, window_params = [{transform_indices = @transform_0, window_bounds = array<i64: 8, 256, 64>}, {transform_indices = @transform_1, window_bounds = array<i64: 256, 16>}]} {
    %get3A = arith.constant 0 : index
    %get3A_0 = arith.constant 0 : index
    %get3A_1 = arith.constant 0 : index
    %get3A_2 = vector.load %arg1[%get3A, %get3A_0, %get3A_1] : memref<8x256x64xf32, #tpu.memory_space<vmem>>, vector<8x256x64xf32>
    %broadcast_in_dim3A = arith.constant 0 : i32
    %broadcast_in_dim3A_3 = vector.broadcast %broadcast_in_dim3A : i32 to vector<256x1xi32>
    %broadcast_in_dim3A_4 = arith.constant 2139095040 : i32
    %broadcast_in_dim3A_5 = vector.broadcast %broadcast_in_dim3A_4 : i32 to vector<256x1xi32>
    %scan3A = arith.constant 0 : i32
    %scan3A_6 = arith.constant 31 : i32
    %scan3A_7 = arith.addi %scan3A, %scan3A_6 : i32
    %scan3A_8 = arith.constant 1 : i32
    %scan3A_9:2 = scf.for %scan3A_14 = %scan3A to %scan3A_7 step %scan3A_8 iter_args(%scan3A_15 = %broadcast_in_dim3A_3, %scan3A_16 = %broadcast_in_dim3A_5) -> (vector<256x1xi32>, vector<256x1xi32>)  : i32 {
      %sub3A = arith.subi %scan3A_16, %scan3A_15 : vector<256x1xi32>
      %jit3A = arith.constant 2 : i32
      %div3A = vector.broadcast %jit3A : i32 to vector<256x1xi32>
      %div3A_17 = arith.divsi %sub3A, %div3A : vector<256x1xi32>
      %sign3A = arith.constant 0 : i32
      %sign3A_18 = vector.broadcast %sign3A : i32 to vector<256x1xi32>
      %sign3A_19 = arith.cmpi sgt, %sub3A, %sign3A_18 : vector<256x1xi32>
      %sign3A_20 = arith.extui %sign3A_19 : vector<256x1xi1> to vector<256x1xi32>
      %sign3A_21 = arith.constant 0 : i32
      %sign3A_22 = vector.broadcast %sign3A_21 : i32 to vector<256x1xi32>
      %sign3A_23 = arith.cmpi slt, %sub3A, %sign3A_22 : vector<256x1xi32>
      %sign3A_24 = arith.extui %sign3A_23 : vector<256x1xi1> to vector<256x1xi32>
      %sign3A_25 = arith.subi %sign3A_20, %sign3A_24 : vector<256x1xi32>
      %sign3A_26 = arith.constant 0 : i32
      %sign3A_27 = arith.cmpi sgt, %jit3A, %sign3A_26 : i32
      %sign3A_28 = arith.extui %sign3A_27 : i1 to i32
      %sign3A_29 = arith.constant 0 : i32
      %sign3A_30 = arith.cmpi slt, %jit3A, %sign3A_29 : i32
      %sign3A_31 = arith.extui %sign3A_30 : i1 to i32
      %sign3A_32 = arith.subi %sign3A_28, %sign3A_31 : i32
      %ne3A = vector.broadcast %sign3A_32 : i32 to vector<256x1xi32>
      %ne3A_33 = arith.cmpi ne, %sign3A_25, %ne3A : vector<256x1xi32>
      %rem3A = vector.broadcast %jit3A : i32 to vector<256x1xi32>
      %rem3A_34 = arith.remsi %sub3A, %rem3A : vector<256x1xi32>
      %ne3A_35 = arith.constant 0 : i32
      %ne3A_36 = vector.broadcast %ne3A_35 : i32 to vector<256x1xi32>
      %ne3A_37 = arith.cmpi ne, %rem3A_34, %ne3A_36 : vector<256x1xi32>
      %and3A = arith.andi %ne3A_33, %ne3A_37 : vector<256x1xi1>
      %sub3A_38 = arith.constant 1 : i32
      %sub3A_39 = vector.broadcast %sub3A_38 : i32 to vector<256x1xi32>
      %sub3A_40 = arith.subi %div3A_17, %sub3A_39 : vector<256x1xi32>
      %select_n3A = arith.select %and3A, %sub3A_40, %div3A_17 : vector<256x1xi1>, vector<256x1xi32>
      %add3A = arith.addi %scan3A_15, %select_n3A : vector<256x1xi32>
      %bitcast_convert_type3A_41 = tpu.bitcast %add3A : vector<256x1xi32> -> vector<256x1xf32>
      %broadcast_in_dim3A_42 = vector.shape_cast %bitcast_convert_type3A_41 : vector<256x1xf32> to vector<1x256x1xf32>
      %le3A = vector.broadcast %broadcast_in_dim3A_42 : vector<1x256x1xf32> to vector<8x256x64xf32>
      %le3A_43 = arith.cmpf ole, %get3A_2, %le3A : vector<8x256x64xf32>
      %convert_element_type3A = arith.extui %le3A_43 : vector<8x256x64xi1> to vector<8x256x64xi32>
      %reduce_sum3A = arith.constant dense<0> : vector<256xi32>
      %reduce_sum3A_44 = vector.multi_reduction <add>, %convert_element_type3A, %reduce_sum3A [0, 2] : vector<8x256x64xi32> to vector<256xi32>
      %broadcast_in_dim3A_45 = vector.shape_cast %reduce_sum3A_44 : vector<256xi32> to vector<1x256x1xi32>
      %squeeze3A = vector.shape_cast %broadcast_in_dim3A_45 : vector<1x256x1xi32> to vector<256x1xi32>
      %ge3A = arith.constant 48 : i32
      %ge3A_46 = vector.broadcast %ge3A : i32 to vector<256x1xi32>
      %ge3A_47 = arith.cmpi sge, %squeeze3A, %ge3A_46 : vector<256x1xi32>
      %add3A_48 = arith.constant 1 : i32
      %add3A_49 = vector.broadcast %add3A_48 : i32 to vector<256x1xi32>
      %add3A_50 = arith.addi %add3A, %add3A_49 : vector<256x1xi32>
      %select_n3A_51 = arith.select %ge3A_47, %scan3A_15, %add3A_50 : vector<256x1xi1>, vector<256x1xi32>
      %select_n3A_52 = arith.select %ge3A_47, %add3A, %scan3A_16 : vector<256x1xi1>, vector<256x1xi32>
      scf.yield %select_n3A_51, %select_n3A_52 : vector<256x1xi32>, vector<256x1xi32>
    }
    %bitcast_convert_type3A = tpu.bitcast %scan3A_9#1 : vector<256x1xi32> -> vector<256x1xf32>
    %broadcast_in_dim3A_10 = vector.shape_cast %bitcast_convert_type3A : vector<256x1xf32> to vector<256x1xf32>
    %broadcast_in_dim3A_11 = vector.broadcast %broadcast_in_dim3A_10 : vector<256x1xf32> to vector<256x16xf32>
    %swap3A = arith.constant 0 : index
    %swap3A_12 = arith.constant 0 : index
    %swap3A_13 = vector.load %arg2[%swap3A, %swap3A_12] : memref<256x16xf32, #tpu.memory_space<vmem>>, vector<256x16xf32>
    tpu.vector_store %arg2[%swap3A, %swap3A_12], %broadcast_in_dim3A_11 {strides = array<i32>} : memref<256x16xf32, #tpu.memory_space<vmem>>, vector<256x16xf32>,
    return
  }
  func.func @transform_0(%arg0: i32) -> (i32, i32, i32) {
    %c0_i32 = arith.constant 0 : i32
    %c0_i32_0 = arith.constant 0 : i32
    %c0_i32_1 = arith.constant 0 : i32
    return %c0_i32, %arg0, %c0_i32_0 : i32, i32, i32
  }
  func.func @transform_1(%arg0: i32) -> (i32, i32) {
    %c0_i32 = arith.constant 0 : i32
    %c0_i32_0 = arith.constant 0 : i32
    return %arg0, %c0_i32 : i32, i32
  }
}

module attributes {stable_mosaic.version = 14 : i64} {
  func.func @_rank_kernel(%arg0: i32, %arg1: memref<256x1536xf32, #tpu.memory_space<vmem>>, %arg2: memref<256x16xf32, #tpu.memory_space<vmem>>) attributes {dimension_semantics = [#tpu.dimension_semantics<arbitrary>], iteration_bounds = array<i64: 8>, scalar_prefetch = 0 : i64, scratch_operands = 0 : i64, tpu.core_type = #tpu.core_type<tc>, window_params = [{transform_indices = @transform_0, window_bounds = array<i64: 256, 1536>}, {transform_indices = @transform_1, window_bounds = array<i64: 256, 16>}]} {
    %get3A = arith.constant 0 : index
    %get3A_0 = arith.constant 0 : index
    %get3A_1 = vector.load %arg1[%get3A, %get3A_0] : memref<256x1536xf32, #tpu.memory_space<vmem>>, vector<256x1536xf32>
    %broadcast_in_dim3A = arith.constant 0 : i32
    %broadcast_in_dim3A_2 = vector.broadcast %broadcast_in_dim3A : i32 to vector<256x1xi32>
    %broadcast_in_dim3A_3 = arith.constant 2139095040 : i32
    %broadcast_in_dim3A_4 = vector.broadcast %broadcast_in_dim3A_3 : i32 to vector<256x1xi32>
    %scan3A = arith.constant 0 : i32
    %scan3A_5 = arith.constant 31 : i32
    %scan3A_6 = arith.addi %scan3A, %scan3A_5 : i32
    %scan3A_7 = arith.constant 1 : i32
    %scan3A_8:2 = scf.for %scan3A_23 = %scan3A to %scan3A_6 step %scan3A_7 iter_args(%scan3A_24 = %broadcast_in_dim3A_2, %scan3A_25 = %broadcast_in_dim3A_4) -> (vector<256x1xi32>, vector<256x1xi32>)  : i32 {
      %sub3A = arith.subi %scan3A_25, %scan3A_24 : vector<256x1xi32>
      %jit3A = arith.constant 2 : i32
      %div3A = vector.broadcast %jit3A : i32 to vector<256x1xi32>
      %div3A_26 = arith.divsi %sub3A, %div3A : vector<256x1xi32>
      %sign3A = arith.constant 0 : i32
      %sign3A_27 = vector.broadcast %sign3A : i32 to vector<256x1xi32>
      %sign3A_28 = arith.cmpi sgt, %sub3A, %sign3A_27 : vector<256x1xi32>
      %sign3A_29 = arith.extui %sign3A_28 : vector<256x1xi1> to vector<256x1xi32>
      %sign3A_30 = arith.constant 0 : i32
      %sign3A_31 = vector.broadcast %sign3A_30 : i32 to vector<256x1xi32>
      %sign3A_32 = arith.cmpi slt, %sub3A, %sign3A_31 : vector<256x1xi32>
      %sign3A_33 = arith.extui %sign3A_32 : vector<256x1xi1> to vector<256x1xi32>
      %sign3A_34 = arith.subi %sign3A_29, %sign3A_33 : vector<256x1xi32>
      %sign3A_35 = arith.constant 0 : i32
      %sign3A_36 = arith.cmpi sgt, %jit3A, %sign3A_35 : i32
      %sign3A_37 = arith.extui %sign3A_36 : i1 to i32
      %sign3A_38 = arith.constant 0 : i32
      %sign3A_39 = arith.cmpi slt, %jit3A, %sign3A_38 : i32
      %sign3A_40 = arith.extui %sign3A_39 : i1 to i32
      %sign3A_41 = arith.subi %sign3A_37, %sign3A_40 : i32
      %ne3A = vector.broadcast %sign3A_41 : i32 to vector<256x1xi32>
      %ne3A_42 = arith.cmpi ne, %sign3A_34, %ne3A : vector<256x1xi32>
      %rem3A = vector.broadcast %jit3A : i32 to vector<256x1xi32>
      %rem3A_43 = arith.remsi %sub3A, %rem3A : vector<256x1xi32>
      %ne3A_44 = arith.constant 0 : i32
      %ne3A_45 = vector.broadcast %ne3A_44 : i32 to vector<256x1xi32>
      %ne3A_46 = arith.cmpi ne, %rem3A_43, %ne3A_45 : vector<256x1xi32>
      %and3A = arith.andi %ne3A_42, %ne3A_46 : vector<256x1xi1>
      %sub3A_47 = arith.constant 1 : i32
      %sub3A_48 = vector.broadcast %sub3A_47 : i32 to vector<256x1xi32>
      %sub3A_49 = arith.subi %div3A_26, %sub3A_48 : vector<256x1xi32>
      %select_n3A_50 = arith.select %and3A, %sub3A_49, %div3A_26 : vector<256x1xi1>, vector<256x1xi32>
      %add3A = arith.addi %scan3A_24, %select_n3A_50 : vector<256x1xi32>
      %bitcast_convert_type3A_51 = tpu.bitcast %add3A : vector<256x1xi32> -> vector<256x1xf32>
      %le3A = vector.broadcast %bitcast_convert_type3A_51 : vector<256x1xf32> to vector<256x1536xf32>
      %le3A_52 = arith.cmpf ole, %get3A_1, %le3A : vector<256x1536xf32>
      %convert_element_type3A = arith.extui %le3A_52 : vector<256x1536xi1> to vector<256x1536xi32>
      %reduce_sum3A = arith.constant dense<0> : vector<256xi32>
      %reduce_sum3A_53 = vector.multi_reduction <add>, %convert_element_type3A, %reduce_sum3A [1] : vector<256x1536xi32> to vector<256xi32>
      %broadcast_in_dim3A_54 = vector.shape_cast %reduce_sum3A_53 : vector<256xi32> to vector<256x1xi32>
      %ge3A = arith.constant 48 : i32
      %ge3A_55 = vector.broadcast %ge3A : i32 to vector<256x1xi32>
      %ge3A_56 = arith.cmpi sge, %broadcast_in_dim3A_54, %ge3A_55 : vector<256x1xi32>
      %add3A_57 = arith.constant 1 : i32
      %add3A_58 = vector.broadcast %add3A_57 : i32 to vector<256x1xi32>
      %add3A_59 = arith.addi %add3A, %add3A_58 : vector<256x1xi32>
      %select_n3A_60 = arith.select %ge3A_56, %scan3A_24, %add3A_59 : vector<256x1xi1>, vector<256x1xi32>
      %select_n3A_61 = arith.select %ge3A_56, %add3A, %scan3A_25 : vector<256x1xi1>, vector<256x1xi32>
      scf.yield %select_n3A_60, %select_n3A_61 : vector<256x1xi32>, vector<256x1xi32>
    }
    %scan3A_9 = arith.constant 0 : i32
    %scan3A_10 = arith.constant 31 : i32
    %scan3A_11 = arith.addi %scan3A_9, %scan3A_10 : i32
    %scan3A_12 = arith.constant 1 : i32
    %scan3A_13:2 = scf.for %scan3A_23 = %scan3A_9 to %scan3A_11 step %scan3A_12 iter_args(%scan3A_24 = %broadcast_in_dim3A_2, %scan3A_25 = %scan3A_8#1) -> (vector<256x1xi32>, vector<256x1xi32>)  : i32 {
      %sub3A = arith.subi %scan3A_25, %scan3A_24 : vector<256x1xi32>
      %jit3A = arith.constant 2 : i32
      %div3A = vector.broadcast %jit3A : i32 to vector<256x1xi32>
      %div3A_26 = arith.divsi %sub3A, %div3A : vector<256x1xi32>
      %sign3A = arith.constant 0 : i32
      %sign3A_27 = vector.broadcast %sign3A : i32 to vector<256x1xi32>
      %sign3A_28 = arith.cmpi sgt, %sub3A, %sign3A_27 : vector<256x1xi32>
      %sign3A_29 = arith.extui %sign3A_28 : vector<256x1xi1> to vector<256x1xi32>
      %sign3A_30 = arith.constant 0 : i32
      %sign3A_31 = vector.broadcast %sign3A_30 : i32 to vector<256x1xi32>
      %sign3A_32 = arith.cmpi slt, %sub3A, %sign3A_31 : vector<256x1xi32>
      %sign3A_33 = arith.extui %sign3A_32 : vector<256x1xi1> to vector<256x1xi32>
      %sign3A_34 = arith.subi %sign3A_29, %sign3A_33 : vector<256x1xi32>
      %sign3A_35 = arith.constant 0 : i32
      %sign3A_36 = arith.cmpi sgt, %jit3A, %sign3A_35 : i32
      %sign3A_37 = arith.extui %sign3A_36 : i1 to i32
      %sign3A_38 = arith.constant 0 : i32
      %sign3A_39 = arith.cmpi slt, %jit3A, %sign3A_38 : i32
      %sign3A_40 = arith.extui %sign3A_39 : i1 to i32
      %sign3A_41 = arith.subi %sign3A_37, %sign3A_40 : i32
      %ne3A = vector.broadcast %sign3A_41 : i32 to vector<256x1xi32>
      %ne3A_42 = arith.cmpi ne, %sign3A_34, %ne3A : vector<256x1xi32>
      %rem3A = vector.broadcast %jit3A : i32 to vector<256x1xi32>
      %rem3A_43 = arith.remsi %sub3A, %rem3A : vector<256x1xi32>
      %ne3A_44 = arith.constant 0 : i32
      %ne3A_45 = vector.broadcast %ne3A_44 : i32 to vector<256x1xi32>
      %ne3A_46 = arith.cmpi ne, %rem3A_43, %ne3A_45 : vector<256x1xi32>
      %and3A = arith.andi %ne3A_42, %ne3A_46 : vector<256x1xi1>
      %sub3A_47 = arith.constant 1 : i32
      %sub3A_48 = vector.broadcast %sub3A_47 : i32 to vector<256x1xi32>
      %sub3A_49 = arith.subi %div3A_26, %sub3A_48 : vector<256x1xi32>
      %select_n3A_50 = arith.select %and3A, %sub3A_49, %div3A_26 : vector<256x1xi1>, vector<256x1xi32>
      %add3A = arith.addi %scan3A_24, %select_n3A_50 : vector<256x1xi32>
      %bitcast_convert_type3A_51 = tpu.bitcast %add3A : vector<256x1xi32> -> vector<256x1xf32>
      %le3A = vector.broadcast %bitcast_convert_type3A_51 : vector<256x1xf32> to vector<256x1536xf32>
      %le3A_52 = arith.cmpf ole, %get3A_1, %le3A : vector<256x1536xf32>
      %convert_element_type3A = arith.extui %le3A_52 : vector<256x1536xi1> to vector<256x1536xi32>
      %reduce_sum3A = arith.constant dense<0> : vector<256xi32>
      %reduce_sum3A_53 = vector.multi_reduction <add>, %convert_element_type3A, %reduce_sum3A [1] : vector<256x1536xi32> to vector<256xi32>
      %broadcast_in_dim3A_54 = vector.shape_cast %reduce_sum3A_53 : vector<256xi32> to vector<256x1xi32>
      %ge3A = arith.constant 32 : i32
      %ge3A_55 = vector.broadcast %ge3A : i32 to vector<256x1xi32>
      %ge3A_56 = arith.cmpi sge, %broadcast_in_dim3A_54, %ge3A_55 : vector<256x1xi32>
      %add3A_57 = arith.constant 1 : i32
      %add3A_58 = vector.broadcast %add3A_57 : i32 to vector<256x1xi32>
      %add3A_59 = arith.addi %add3A, %add3A_58 : vector<256x1xi32>
      %select_n3A_60 = arith.select %ge3A_56, %scan3A_24, %add3A_59 : vector<256x1xi1>, vector<256x1xi32>
      %select_n3A_61 = arith.select %ge3A_56, %add3A, %scan3A_25 : vector<256x1xi1>, vector<256x1xi32>
      scf.yield %select_n3A_60, %select_n3A_61 : vector<256x1xi32>, vector<256x1xi32>
    }
    %bitcast_convert_type3A = tpu.bitcast %scan3A_8#1 : vector<256x1xi32> -> vector<256x1xf32>
    %bitcast_convert_type3A_14 = tpu.bitcast %scan3A_13#1 : vector<256x1xi32> -> vector<256x1xf32>
    %iota3A = tpu.iota {dimensions = array<i32: 1>} : vector<256x16xi32>
    %eq3A = arith.constant 0 : i32
    %eq3A_15 = vector.broadcast %eq3A : i32 to vector<256x16xi32>
    %eq3A_16 = arith.cmpi eq, %iota3A, %eq3A_15 : vector<256x16xi32>
    %broadcast_in_dim3A_17 = vector.shape_cast %bitcast_convert_type3A : vector<256x1xf32> to vector<256x1xf32>
    %broadcast_in_dim3A_18 = vector.broadcast %broadcast_in_dim3A_17 : vector<256x1xf32> to vector<256x16xf32>
    %broadcast_in_dim3A_19 = vector.shape_cast %bitcast_convert_type3A_14 : vector<256x1xf32> to vector<256x1xf32>
    %broadcast_in_dim3A_20 = vector.broadcast %broadcast_in_dim3A_19 : vector<256x1xf32> to vector<256x16xf32>
    %select_n3A = arith.select %eq3A_16, %broadcast_in_dim3A_18, %broadcast_in_dim3A_20 : vector<256x16xi1>, vector<256x16xf32>
    %swap3A = arith.constant 0 : index
    %swap3A_21 = arith.constant 0 : index
    %swap3A_22 = vector.load %arg2[%swap3A, %swap3A_21] : memref<256x16xf32, #tpu.memory_space<vmem>>, vector<256x16xf32>
    tpu.vector_store %arg2[%swap3A, %swap3A_21], %select_n3A {strides = array<i32>} : memref<256x16xf32, #tpu.memory_space<vmem>>, vector<256x16xf32>,
    return
  }
  func.func @transform_0(%arg0: i32) -> (i32, i32) {
    %c0_i32 = arith.constant 0 : i32
    %c0_i32_0 = arith.constant 0 : i32
    return %arg0, %c0_i32 : i32, i32
  }
  func.func @transform_1(%arg0: i32) -> (i32, i32) {
    %c0_i32 = arith.constant 0 : i32
    %c0_i32_0 = arith.constant 0 : i32
    return %arg0, %c0_i32 : i32, i32
  }
}

module attributes {stable_mosaic.version = 14 : i64} {
  func.func @_attend_kernel(%arg0: i32, %arg1: i32, %arg2: memref<256x2048xf32, #tpu.memory_space<vmem>>, %arg3: memref<256x16xf32, #tpu.memory_space<vmem>>, %arg4: memref<256x1xf32, #tpu.memory_space<vmem>>, %arg5: memref<1x2048xf32, #tpu.memory_space<vmem>>, %arg6: memref<2048x64xf32, #tpu.memory_space<vmem>>, %arg7: memref<256x64xf32, #tpu.memory_space<vmem>>, %arg8: memref<1x256xf32, #tpu.memory_space<vmem>>, %arg9: memref<1x256xf32, #tpu.memory_space<vmem>>, %arg10: memref<1x256xf32, #tpu.memory_space<vmem>>, %arg11: memref<256x256xf32, #tpu.memory_space<vmem>>, %arg12: memref<256x64xf32, #tpu.memory_space<vmem>>, %arg13: memref<256x1xf32, #tpu.memory_space<vmem>>, %arg14: memref<256x64xf32, #tpu.memory_space<vmem>>, %arg15: memref<256x1xf32, #tpu.memory_space<vmem>>, %arg16: memref<256x1xf32, #tpu.memory_space<vmem>>) attributes {dimension_semantics = [#tpu.dimension_semantics<arbitrary>, #tpu.dimension_semantics<arbitrary>], iteration_bounds = array<i64: 8, 8>, scalar_prefetch = 0 : i64, scratch_operands = 5 : i64, tpu.core_type = #tpu.core_type<tc>, window_params = [{transform_indices = @transform_0, window_bounds = array<i64: 256, 2048>}, {transform_indices = @transform_1, window_bounds = array<i64: 256, 16>}, {transform_indices = @transform_2, window_bounds = array<i64: 256, 1>}, {pipeline_mode = #tpu.pipeline_mode<synchronous>, transform_indices = @transform_3, window_bounds = array<i64: 1, 2048>}, {transform_indices = @transform_4, window_bounds = array<i64: 2048, 64>}, {pipeline_mode = #tpu.pipeline_mode<synchronous>, transform_indices = @transform_5, window_bounds = array<i64: 256, 64>}, {pipeline_mode = #tpu.pipeline_mode<synchronous>, transform_indices = @transform_6, window_bounds = array<i64: 1, 256>}, {pipeline_mode = #tpu.pipeline_mode<synchronous>, transform_indices = @transform_7, window_bounds = array<i64: 1, 256>}, {pipeline_mode = #tpu.pipeline_mode<synchronous>, transform_indices = @transform_8, window_bounds = array<i64: 1, 256>}, {transform_indices = @transform_9, window_bounds = array<i64: 256, 256>}]} {
    %eq3A = arith.constant 0 : i32
    %eq3A_0 = arith.cmpi eq, %arg1, %eq3A : i32
    %convert_element_type3A = arith.extui %eq3A_0 : i1 to i32
    %cond3A = arith.constant 0 : i32
    %cond3A_1 = arith.cmpi ne, %convert_element_type3A, %cond3A : i32
    scf.if %cond3A_1 {
      %broadcast_in_dim3A_95 = arith.constant 0.000000e+00 : f32
      %broadcast_in_dim3A_96 = vector.broadcast %broadcast_in_dim3A_95 : f32 to vector<256x64xf32>
      %swap3A_97 = arith.constant 0 : index
      %swap3A_98 = arith.constant 0 : index
      %swap3A_99 = vector.load %arg12[%swap3A_97, %swap3A_98] : memref<256x64xf32, #tpu.memory_space<vmem>>, vector<256x64xf32>
      tpu.vector_store %arg12[%swap3A_97, %swap3A_98], %broadcast_in_dim3A_96 {strides = array<i32>} : memref<256x64xf32, #tpu.memory_space<vmem>>, vector<256x64xf32>,
      %broadcast_in_dim3A_100 = arith.constant 0.000000e+00 : f32
      %broadcast_in_dim3A_101 = vector.broadcast %broadcast_in_dim3A_100 : f32 to vector<256x1xf32>
      %swap3A_102 = arith.constant 0 : index
      %swap3A_103 = arith.constant 0 : index
      %swap3A_104 = vector.load %arg13[%swap3A_102, %swap3A_103] : memref<256x1xf32, #tpu.memory_space<vmem>>, vector<256x1xf32>
      tpu.vector_store %arg13[%swap3A_102, %swap3A_103], %broadcast_in_dim3A_101 {strides = array<i32>} : memref<256x1xf32, #tpu.memory_space<vmem>>, vector<256x1xf32>,
      %broadcast_in_dim3A_105 = arith.constant 0.000000e+00 : f32
      %broadcast_in_dim3A_106 = vector.broadcast %broadcast_in_dim3A_105 : f32 to vector<256x64xf32>
      %swap3A_107 = arith.constant 0 : index
      %swap3A_108 = arith.constant 0 : index
      %swap3A_109 = vector.load %arg14[%swap3A_107, %swap3A_108] : memref<256x64xf32, #tpu.memory_space<vmem>>, vector<256x64xf32>
      tpu.vector_store %arg14[%swap3A_107, %swap3A_108], %broadcast_in_dim3A_106 {strides = array<i32>} : memref<256x64xf32, #tpu.memory_space<vmem>>, vector<256x64xf32>,
      %broadcast_in_dim3A_110 = arith.constant 0.000000e+00 : f32
      %broadcast_in_dim3A_111 = vector.broadcast %broadcast_in_dim3A_110 : f32 to vector<256x1xf32>
      %swap3A_112 = arith.constant 0 : index
      %swap3A_113 = arith.constant 0 : index
      %swap3A_114 = vector.load %arg15[%swap3A_112, %swap3A_113] : memref<256x1xf32, #tpu.memory_space<vmem>>, vector<256x1xf32>
      tpu.vector_store %arg15[%swap3A_112, %swap3A_113], %broadcast_in_dim3A_111 {strides = array<i32>} : memref<256x1xf32, #tpu.memory_space<vmem>>, vector<256x1xf32>,
      %broadcast_in_dim3A_115 = arith.constant 0.000000e+00 : f32
      %broadcast_in_dim3A_116 = vector.broadcast %broadcast_in_dim3A_115 : f32 to vector<256x1xf32>
      %swap3A_117 = arith.constant 0 : index
      %swap3A_118 = arith.constant 0 : index
      %swap3A_119 = vector.load %arg16[%swap3A_117, %swap3A_118] : memref<256x1xf32, #tpu.memory_space<vmem>>, vector<256x1xf32>
      tpu.vector_store %arg16[%swap3A_117, %swap3A_118], %broadcast_in_dim3A_116 {strides = array<i32>} : memref<256x1xf32, #tpu.memory_space<vmem>>, vector<256x1xf32>,
    } else {
    }
    %get3A = arith.constant 0 : index
    %get3A_2 = arith.constant 0 : index
    %get3A_3 = vector.load %arg5[%get3A, %get3A_2] : memref<1x2048xf32, #tpu.memory_space<vmem>>, vector<1x2048xf32>
    %reduce_sum3A = vector.shape_cast %get3A_3 : vector<1x2048xf32> to vector<1x1x2048xf32>
    %reduce_sum3A_4 = arith.constant dense<0.000000e+00> : vector<1xf32>
    %reduce_sum3A_5 = vector.multi_reduction <add>, %reduce_sum3A, %reduce_sum3A_4 [1, 2] : vector<1x1x2048xf32> to vector<1xf32>
    %reduce_sum3A_6 = vector.shape_cast %reduce_sum3A_5 : vector<1xf32> to vector<1x1x1xf32>
    %reduce_sum3A_7 = vector.extract %reduce_sum3A_6[0, 0, 0] : f32 from vector<1x1x1xf32>
    %div3A = arith.constant 2.048000e+03 : f32
    %div3A_8 = arith.divf %reduce_sum3A_7, %div3A : f32
    %mul3A = arith.constant 0.00999999977 : f32
    %mul3A_9 = arith.mulf %mul3A, %div3A_8 : f32
    %add3A = arith.constant 9.900000e-01 : f32
    %add3A_10 = arith.addf %add3A, %mul3A_9 : f32
    %mul3A_11 = arith.constant 0.699999988 : f32
    %mul3A_12 = arith.mulf %mul3A_11, %add3A_10 : f32
    %lt3A = arith.cmpf olt, %div3A_8, %mul3A_12 : f32
    %get3A_13 = arith.constant 0 : index
    %get3A_14 = arith.constant 0 : index
    %get3A_15 = vector.load %arg3[%get3A_13, %get3A_14] : memref<256x16xf32, #tpu.memory_space<vmem>>, vector<256x1xf32>
    %get3A_16 = arith.constant 0 : index
    %get3A_17 = arith.constant 1 : index
    %get3A_18 = vector.load %arg3[%get3A_16, %get3A_17] : memref<256x16xf32, #tpu.memory_space<vmem>>, vector<256x1xf32>
    %select_n3A = arith.select %lt3A, %get3A_15, %get3A_18 : vector<256x1xf32>
    %get3A_19 = arith.constant 0 : index
    %get3A_20 = arith.constant 0 : index
    %get3A_21 = vector.load %arg4[%get3A_19, %get3A_20] : memref<256x1xf32, #tpu.memory_space<vmem>>, vector<256x1xf32>
    %get3A_22 = arith.constant 0 : index
    %get3A_23 = arith.constant 0 : index
    %get3A_24 = vector.load %arg2[%get3A_22, %get3A_23] : memref<256x2048xf32, #tpu.memory_space<vmem>>, vector<256x2048xf32>
    %lt3A_25 = vector.broadcast %select_n3A : vector<256x1xf32> to vector<256x2048xf32>
    %lt3A_26 = arith.cmpf olt, %get3A_24, %lt3A_25 : vector<256x2048xf32>
    %eq3A_27 = vector.broadcast %select_n3A : vector<256x1xf32> to vector<256x2048xf32>
    %eq3A_28 = arith.cmpf oeq, %get3A_24, %eq3A_27 : vector<256x2048xf32>
    %sub3A = vector.broadcast %get3A_21 : vector<256x1xf32> to vector<256x2048xf32>
    %sub3A_29 = arith.subf %sub3A, %get3A_24 : vector<256x2048xf32>
    %exp3A = math.exp %sub3A_29 : vector<256x2048xf32>
    %jit3A = arith.constant 0.000000e+00 : f32
    %broadcast_in_dim3A = vector.broadcast %jit3A : f32 to vector<256x2048xf32>
    %select_n3A_30 = arith.select %lt3A_26, %exp3A, %broadcast_in_dim3A : vector<256x2048xi1>, vector<256x2048xf32>
    %jit3A_31 = arith.constant 0.000000e+00 : f32
    %broadcast_in_dim3A_32 = vector.broadcast %jit3A_31 : f32 to vector<256x2048xf32>
    %select_n3A_33 = arith.select %eq3A_28, %exp3A, %broadcast_in_dim3A_32 : vector<256x2048xi1>, vector<256x2048xf32>
    %get3A_34 = arith.constant 0 : index
    %get3A_35 = arith.constant 0 : index
    %get3A_36 = vector.load %arg12[%get3A_34, %get3A_35] : memref<256x64xf32, #tpu.memory_space<vmem>>, vector<256x64xf32>
    %get3A_37 = arith.constant 0 : index
    %get3A_38 = arith.constant 0 : index
    %get3A_39 = vector.load %arg6[%get3A_37, %get3A_38] : memref<2048x64xf32, #tpu.memory_space<vmem>>, vector<2048x64xf32>
    %dot_general3A = arith.constant dense<0.000000e+00> : vector<256x64xf32>
    %dot_general3A_40 = tpu.matmul %select_n3A_30, %get3A_39, %dot_general3A {dimension_numbers = #tpu.dot_dimension_numbers<[1], [0], [0], [1], [0, 0, 1, 1], [], []>, transpose_lhs_hint = false} : vector<256x2048xf32>, vector<2048x64xf32>, vector<256x64xf32> -> vector<256x64xf32>
    %add3A_41 = arith.addf %get3A_36, %dot_general3A_40 : vector<256x64xf32>
    %swap3A = arith.constant 0 : index
    %swap3A_42 = arith.constant 0 : index
    %swap3A_43 = vector.load %arg12[%swap3A, %swap3A_42] : memref<256x64xf32, #tpu.memory_space<vmem>>, vector<256x64xf32>
    tpu.vector_store %arg12[%swap3A, %swap3A_42], %add3A_41 {strides = array<i32>} : memref<256x64xf32, #tpu.memory_space<vmem>>, vector<256x64xf32>,
    %get3A_44 = arith.constant 0 : index
    %get3A_45 = arith.constant 0 : index
    %get3A_46 = vector.load %arg14[%get3A_44, %get3A_45] : memref<256x64xf32, #tpu.memory_space<vmem>>, vector<256x64xf32>
    %get3A_47 = arith.constant 0 : index
    %get3A_48 = arith.constant 0 : index
    %get3A_49 = vector.load %arg6[%get3A_47, %get3A_48] : memref<2048x64xf32, #tpu.memory_space<vmem>>, vector<2048x64xf32>
    %dot_general3A_50 = arith.constant dense<0.000000e+00> : vector<256x64xf32>
    %dot_general3A_51 = tpu.matmul %select_n3A_33, %get3A_49, %dot_general3A_50 {dimension_numbers = #tpu.dot_dimension_numbers<[1], [0], [0], [1], [0, 0, 1, 1], [], []>, transpose_lhs_hint = false} : vector<256x2048xf32>, vector<2048x64xf32>, vector<256x64xf32> -> vector<256x64xf32>
    %add3A_52 = arith.addf %get3A_46, %dot_general3A_51 : vector<256x64xf32>
    %swap3A_53 = arith.constant 0 : index
    %swap3A_54 = arith.constant 0 : index
    %swap3A_55 = vector.load %arg14[%swap3A_53, %swap3A_54] : memref<256x64xf32, #tpu.memory_space<vmem>>, vector<256x64xf32>
    tpu.vector_store %arg14[%swap3A_53, %swap3A_54], %add3A_52 {strides = array<i32>} : memref<256x64xf32, #tpu.memory_space<vmem>>, vector<256x64xf32>,
    %get3A_56 = arith.constant 0 : index
    %get3A_57 = arith.constant 0 : index
    %get3A_58 = vector.load %arg13[%get3A_56, %get3A_57] : memref<256x1xf32, #tpu.memory_space<vmem>>, vector<256x1xf32>
    %reduce_sum3A_59 = arith.constant dense<0.000000e+00> : vector<256xf32>
    %reduce_sum3A_60 = vector.multi_reduction <add>, %select_n3A_30, %reduce_sum3A_59 [1] : vector<256x2048xf32> to vector<256xf32>
    %broadcast_in_dim3A_61 = vector.shape_cast %reduce_sum3A_60 : vector<256xf32> to vector<256x1xf32>
    %add3A_62 = arith.addf %get3A_58, %broadcast_in_dim3A_61 : vector<256x1xf32>
    %swap3A_63 = arith.constant 0 : index
    %swap3A_64 = arith.constant 0 : index
    %swap3A_65 = vector.load %arg13[%swap3A_63, %swap3A_64] : memref<256x1xf32, #tpu.memory_space<vmem>>, vector<256x1xf32>
    tpu.vector_store %arg13[%swap3A_63, %swap3A_64], %add3A_62 {strides = array<i32>} : memref<256x1xf32, #tpu.memory_space<vmem>>, vector<256x1xf32>,
    %get3A_66 = arith.constant 0 : index
    %get3A_67 = arith.constant 0 : index
    %get3A_68 = vector.load %arg15[%get3A_66, %get3A_67] : memref<256x1xf32, #tpu.memory_space<vmem>>, vector<256x1xf32>
    %convert_element_type3A_69 = arith.extui %lt3A_26 : vector<256x2048xi1> to vector<256x2048xi32>
    %convert_element_type3A_70 = arith.sitofp %convert_element_type3A_69 : vector<256x2048xi32> to vector<256x2048xf32>
    %reduce_sum3A_71 = arith.constant dense<0.000000e+00> : vector<256xf32>
    %reduce_sum3A_72 = vector.multi_reduction <add>, %convert_element_type3A_70, %reduce_sum3A_71 [1] : vector<256x2048xf32> to vector<256xf32>
    %broadcast_in_dim3A_73 = vector.shape_cast %reduce_sum3A_72 : vector<256xf32> to vector<256x1xf32>
    %add3A_74 = arith.addf %get3A_68, %broadcast_in_dim3A_73 : vector<256x1xf32>
    %swap3A_75 = arith.constant 0 : index
    %swap3A_76 = arith.constant 0 : index
    %swap3A_77 = vector.load %arg15[%swap3A_75, %swap3A_76] : memref<256x1xf32, #tpu.memory_space<vmem>>, vector<256x1xf32>
    tpu.vector_store %arg15[%swap3A_75, %swap3A_76], %add3A_74 {strides = array<i32>} : memref<256x1xf32, #tpu.memory_space<vmem>>, vector<256x1xf32>,
    %get3A_78 = arith.constant 0 : index
    %get3A_79 = arith.constant 0 : index
    %get3A_80 = vector.load %arg16[%get3A_78, %get3A_79] : memref<256x1xf32, #tpu.memory_space<vmem>>, vector<256x1xf32>
    %convert_element_type3A_81 = arith.extui %eq3A_28 : vector<256x2048xi1> to vector<256x2048xi32>
    %convert_element_type3A_82 = arith.sitofp %convert_element_type3A_81 : vector<256x2048xi32> to vector<256x2048xf32>
    %reduce_sum3A_83 = arith.constant dense<0.000000e+00> : vector<256xf32>
    %reduce_sum3A_84 = vector.multi_reduction <add>, %convert_element_type3A_82, %reduce_sum3A_83 [1] : vector<256x2048xf32> to vector<256xf32>
    %broadcast_in_dim3A_85 = vector.shape_cast %reduce_sum3A_84 : vector<256xf32> to vector<256x1xf32>
    %add3A_86 = arith.addf %get3A_80, %broadcast_in_dim3A_85 : vector<256x1xf32>
    %swap3A_87 = arith.constant 0 : index
    %swap3A_88 = arith.constant 0 : index
    %swap3A_89 = vector.load %arg16[%swap3A_87, %swap3A_88] : memref<256x1xf32, #tpu.memory_space<vmem>>, vector<256x1xf32>
    tpu.vector_store %arg16[%swap3A_87, %swap3A_88], %add3A_86 {strides = array<i32>} : memref<256x1xf32, #tpu.memory_space<vmem>>, vector<256x1xf32>,
    %eq3A_90 = arith.constant 7 : i32
    %eq3A_91 = arith.cmpi eq, %arg1, %eq3A_90 : i32
    %convert_element_type3A_92 = arith.extui %eq3A_91 : i1 to i32
    %cond3A_93 = arith.constant 0 : i32
    %cond3A_94 = arith.cmpi ne, %convert_element_type3A_92, %cond3A_93 : i32
    scf.if %cond3A_94 {
      %jit3A_95 = arith.constant 4.800000e+01 : f32
      %jit3A_96 = arith.constant 3.200000e+01 : f32
      %select_n3A_97 = arith.select %lt3A, %jit3A_95, %jit3A_96 : f32
      %get3A_98 = arith.constant 0 : index
      %get3A_99 = arith.constant 0 : index
      %get3A_100 = vector.load %arg15[%get3A_98, %get3A_99] : memref<256x1xf32, #tpu.memory_space<vmem>>, vector<256x1xf32>
      %sub3A_101 = vector.broadcast %select_n3A_97 : f32 to vector<256x1xf32>
      %sub3A_102 = arith.subf %sub3A_101, %get3A_100 : vector<256x1xf32>
      %get3A_103 = arith.constant 0 : index
      %get3A_104 = arith.constant 0 : index
      %get3A_105 = vector.load %arg16[%get3A_103, %get3A_104] : memref<256x1xf32, #tpu.memory_space<vmem>>, vector<256x1xf32>
      %div3A_106 = arith.divf %sub3A_102, %get3A_105 : vector<256x1xf32>
      %sub3A_107 = arith.subf %get3A_21, %select_n3A : vector<256x1xf32>
      %exp3A_108 = math.exp %sub3A_107 : vector<256x1xf32>
      %get3A_109 = arith.constant 0 : index
      %get3A_110 = arith.constant 0 : index
      %get3A_111 = vector.load %arg13[%get3A_109, %get3A_110] : memref<256x1xf32, #tpu.memory_space<vmem>>, vector<256x1xf32>
      %mul3A_112 = arith.mulf %sub3A_102, %exp3A_108 : vector<256x1xf32>
      %add3A_113 = arith.addf %get3A_111, %mul3A_112 : vector<256x1xf32>
      %get3A_114 = arith.constant 0 : index
      %get3A_115 = arith.constant 0 : index
      %get3A_116 = vector.load %arg12[%get3A_114, %get3A_115] : memref<256x64xf32, #tpu.memory_space<vmem>>, vector<256x64xf32>
      %get3A_117 = arith.constant 0 : index
      %get3A_118 = arith.constant 0 : index
      %get3A_119 = vector.load %arg14[%get3A_117, %get3A_118] : memref<256x64xf32, #tpu.memory_space<vmem>>, vector<256x64xf32>
      %mul3A_120 = vector.broadcast %div3A_106 : vector<256x1xf32> to vector<256x64xf32>
      %mul3A_121 = arith.mulf %mul3A_120, %get3A_119 : vector<256x64xf32>
      %add3A_122 = arith.addf %get3A_116, %mul3A_121 : vector<256x64xf32>
      %div3A_123 = vector.broadcast %add3A_113 : vector<256x1xf32> to vector<256x64xf32>
      %div3A_124 = arith.divf %add3A_122, %div3A_123 : vector<256x64xf32>
      %get3A_125 = arith.constant 0 : index
      %get3A_126 = arith.constant 0 : index
      %get3A_127 = vector.load %arg7[%get3A_125, %get3A_126] : memref<256x64xf32, #tpu.memory_space<vmem>>, vector<256x64xf32>
      %transpose3A = tpu.transpose %get3A_127, [1, 0] : vector<256x64xf32> -> vector<64x256xf32>
      %dot_general3A_128 = arith.constant dense<0.000000e+00> : vector<256x256xf32>
      %dot_general3A_129 = tpu.matmul %div3A_124, %transpose3A, %dot_general3A_128 {dimension_numbers = #tpu.dot_dimension_numbers<[1], [0], [0], [1], [0, 0, 1, 1], [], []>, transpose_lhs_hint = false} : vector<256x64xf32>, vector<64x256xf32>, vector<256x256xf32> -> vector<256x256xf32>
      %get3A_130 = arith.constant 0 : index
      %get3A_131 = arith.constant 0 : index
      %get3A_132 = vector.load %arg8[%get3A_130, %get3A_131] : memref<1x256xf32, #tpu.memory_space<vmem>>, vector<1x256xf32>
      %add3A_133 = vector.broadcast %get3A_132 : vector<1x256xf32> to vector<256x256xf32>
      %add3A_134 = arith.addf %dot_general3A_129, %add3A_133 : vector<256x256xf32>
      %get3A_135 = arith.constant 0 : index
      %get3A_136 = arith.constant 0 : index
      %get3A_137 = vector.load %arg9[%get3A_135, %get3A_136] : memref<1x256xf32, #tpu.memory_space<vmem>>, vector<1x256xf32>
      %get3A_138 = arith.constant 0 : index
      %get3A_139 = arith.constant 0 : index
      %get3A_140 = vector.load %arg10[%get3A_138, %get3A_139] : memref<1x256xf32, #tpu.memory_space<vmem>>, vector<1x256xf32>
      %reduce_sum3A_141 = arith.constant dense<0.000000e+00> : vector<256xf32>
      %reduce_sum3A_142 = vector.multi_reduction <add>, %add3A_134, %reduce_sum3A_141 [1] : vector<256x256xf32> to vector<256xf32>
      %broadcast_in_dim3A_143 = vector.shape_cast %reduce_sum3A_142 : vector<256xf32> to vector<256x1xf32>
      %div3A_144 = arith.constant 2.560000e+02 : f32
      %div3A_145 = vector.broadcast %div3A_144 : f32 to vector<256x1xf32>
      %div3A_146 = arith.divf %broadcast_in_dim3A_143, %div3A_145 : vector<256x1xf32>
      %sub3A_147 = vector.broadcast %div3A_146 : vector<256x1xf32> to vector<256x256xf32>
      %sub3A_148 = arith.subf %add3A_134, %sub3A_147 : vector<256x256xf32>
      %integer_pow3A = arith.mulf %sub3A_148, %sub3A_148 : vector<256x256xf32>
      %reduce_sum3A_149 = arith.constant dense<0.000000e+00> : vector<256xf32>
      %reduce_sum3A_150 = vector.multi_reduction <add>, %integer_pow3A, %reduce_sum3A_149 [1] : vector<256x256xf32> to vector<256xf32>
      %broadcast_in_dim3A_151 = vector.shape_cast %reduce_sum3A_150 : vector<256xf32> to vector<256x1xf32>
      %div3A_152 = arith.constant 2.560000e+02 : f32
      %div3A_153 = vector.broadcast %div3A_152 : f32 to vector<256x1xf32>
      %div3A_154 = arith.divf %broadcast_in_dim3A_151, %div3A_153 : vector<256x1xf32>
      %sub3A_155 = vector.broadcast %div3A_146 : vector<256x1xf32> to vector<256x256xf32>
      %sub3A_156 = arith.subf %add3A_134, %sub3A_155 : vector<256x256xf32>
      %add3A_157 = arith.constant 9.99999974E-6 : f32
      %add3A_158 = vector.broadcast %add3A_157 : f32 to vector<256x1xf32>
      %add3A_159 = arith.addf %div3A_154, %add3A_158 : vector<256x1xf32>
      %rsqrt3A = math.rsqrt %add3A_159 : vector<256x1xf32>
      %mul3A_160 = vector.broadcast %rsqrt3A : vector<256x1xf32> to vector<256x256xf32>
      %mul3A_161 = arith.mulf %sub3A_156, %mul3A_160 : vector<256x256xf32>
      %mul3A_162 = vector.broadcast %get3A_137 : vector<1x256xf32> to vector<256x256xf32>
      %mul3A_163 = arith.mulf %mul3A_161, %mul3A_162 : vector<256x256xf32>
      %add3A_164 = vector.broadcast %get3A_140 : vector<1x256xf32> to vector<256x256xf32>
      %add3A_165 = arith.addf %mul3A_163, %add3A_164 : vector<256x256xf32>
      %mul3A_166 = arith.constant 5.000000e-01 : f32
      %mul3A_167 = vector.broadcast %mul3A_166 : f32 to vector<256x256xf32>
      %mul3A_168 = arith.mulf %add3A_165, %mul3A_167 : vector<256x256xf32>
      %mul3A_169 = arith.constant 0.707106769 : f32
      %mul3A_170 = vector.broadcast %mul3A_169 : f32 to vector<256x256xf32>
      %mul3A_171 = arith.mulf %add3A_165, %mul3A_170 : vector<256x256xf32>
      %erf3A = math.erf %mul3A_171 : vector<256x256xf32>
      %add3A_172 = arith.constant 1.000000e+00 : f32
      %add3A_173 = vector.broadcast %add3A_172 : f32 to vector<256x256xf32>
      %add3A_174 = arith.addf %add3A_173, %erf3A : vector<256x256xf32>
      %mul3A_175 = arith.mulf %mul3A_168, %add3A_174 : vector<256x256xf32>
      %swap3A_176 = arith.constant 0 : index
      %swap3A_177 = arith.constant 0 : index
      %swap3A_178 = vector.load %arg11[%swap3A_176, %swap3A_177] : memref<256x256xf32, #tpu.memory_space<vmem>>, vector<256x256xf32>
      tpu.vector_store %arg11[%swap3A_176, %swap3A_177], %mul3A_175 {strides = array<i32>} : memref<256x256xf32, #tpu.memory_space<vmem>>, vector<256x256xf32>,
    } else {
    }
    return
  }
  func.func @transform_0(%arg0: i32, %arg1: i32) -> (i32, i32) {
    %c0_i32 = arith.constant 0 : i32
    return %arg0, %arg1 : i32, i32
  }
  func.func @transform_1(%arg0: i32, %arg1: i32) -> (i32, i32) {
    %c0_i32 = arith.constant 0 : i32
    %c0_i32_0 = arith.constant 0 : i32
    return %arg0, %c0_i32 : i32, i32
  }
  func.func @transform_2(%arg0: i32, %arg1: i32) -> (i32, i32) {
    %c0_i32 = arith.constant 0 : i32
    %c0_i32_0 = arith.constant 0 : i32
    return %arg0, %c0_i32 : i32, i32
  }
  func.func @transform_3(%arg0: i32, %arg1: i32) -> (i32, i32) {
    %c0_i32 = arith.constant 0 : i32
    %c0_i32_0 = arith.constant 0 : i32
    %c0_i32_1 = arith.constant 0 : i32
    return %c0_i32, %c0_i32_0 : i32, i32
  }
  func.func @transform_4(%arg0: i32, %arg1: i32) -> (i32, i32) {
    %c0_i32 = arith.constant 0 : i32
    %c0_i32_0 = arith.constant 0 : i32
    return %arg1, %c0_i32 : i32, i32
  }
  func.func @transform_5(%arg0: i32, %arg1: i32) -> (i32, i32) {
    %c0_i32 = arith.constant 0 : i32
    %c0_i32_0 = arith.constant 0 : i32
    %c0_i32_1 = arith.constant 0 : i32
    return %c0_i32, %c0_i32_0 : i32, i32
  }
  func.func @transform_6(%arg0: i32, %arg1: i32) -> (i32, i32) {
    %c0_i32 = arith.constant 0 : i32
    %c0_i32_0 = arith.constant 0 : i32
    %c0_i32_1 = arith.constant 0 : i32
    return %c0_i32, %c0_i32_0 : i32, i32
  }
  func.func @transform_7(%arg0: i32, %arg1: i32) -> (i32, i32) {
    %c0_i32 = arith.constant 0 : i32
    %c0_i32_0 = arith.constant 0 : i32
    %c0_i32_1 = arith.constant 0 : i32
    return %c0_i32, %c0_i32_0 : i32, i32
  }
  func.func @transform_8(%arg0: i32, %arg1: i32) -> (i32, i32) {
    %c0_i32 = arith.constant 0 : i32
    %c0_i32_0 = arith.constant 0 : i32
    %c0_i32_1 = arith.constant 0 : i32
    return %c0_i32, %c0_i32_0 : i32, i32
  }
  func.func @transform_9(%arg0: i32, %arg1: i32) -> (i32, i32) {
    %c0_i32 = arith.constant 0 : i32
    %c0_i32_0 = arith.constant 0 : i32
    return %arg0, %c0_i32 : i32, i32
  }
}

</mosaic_0001>

<sc_bundles>
// kernel: kernel.8.cloned.1.call-start
scs
__scs_entry_jumppad:
0x0: {  	(pc) =	sbr.rel $0x88, $3  }
0x1: {  	(tag) =	ssettag $0x0;
	lr =	simm.s32 $0x1  }
0x2: {  	[smem:$0x3F8F] =	sst lr;
	_ =	strace $0xD0000000  }
0x3: {  	_ = 	snop  }
0x4: {  	_ = 	snop  }
0x5: {  	_ = 	snop  }
0x6: {  	_ = 	snop  }
0x7: {  	_ = 	snop  }
__scs_overlays_trampoline_lowered:
0x8: {  	[smem:$0x3F9E] =	sst s0  }
0x9: {  	[smem:$0x3F9F] =	sst s1  }
0xa: {  	[smem:$0x3FA0] =	sst s2  }
0xb: {  	[smem:$0x3FA1] =	sst s3  }
0xc: {  	[smem:$0x3FA2] =	sst s4  }
0xd: {  	[smem:$0x3FA3] =	sst s5  }
0xe: {  	[smem:$0x3FA4] =	sst s6  }
0xf: {  	[smem:$0x3FA5] =	sst s7  }
0x10: {  	[smem:$0x3FA6] =	sst s8  }
0x11: {  	[smem:$0x3FA7] =	sst s9;
	s0 =	simm.s32 @!p0 $0x0  }
0x12: {  	s1 =	sld [smem:$0x3F8D];
	s0 =	simm.s32 @p0 $0x1  }
0x13: {  	[smem:$0x3FA8] =	sst s0;
	s0 =	simm.s32 @!p1 $0x0  }
0x14: {  	s2 =	sld [smem:$0x3F8C];
	s0 =	simm.s32 @p1 $0x1  }
0x15: {  	[smem:$0x3FA9] =	sst s0;
	s0 =	simm.s32 @!p2 $0x0  }
0x16: {  	s3 =	sld [smem:$0x3FDB];
	s0 =	simm.s32 @p2 $0x1  }
0x17: {  	s4 =	simm.s32 $0x1BF5;
	[smem:$0x3FAB] =	sst s0  }
0x18: {  	s0 =	sld [smem:$0x3F8E];
	_ =	swait.ge [sflag:s4], $0x0  }
0x19: {  	s7 =	sld [smem:$0x3F8F]  }
0x1a: {  	s8 =	sadd.s32 $0xFFFFE003, lr  }
0x1b: {  	s9 =	sadd.s32 $0xFFFFFEF7, lr;
	s5 =	simm.s32 $0xFFFFFFFF;
	p2 =	slt.u32 s8, $0xFFFFF086  }
0x1c: {  	p1 =	slt.u32 s9, $0xF7A;
	s5 =	simm.s32 @!p2 $0x0  }
0x1d: {  	s5 =	simm.s32 @p1 $0x1;
	p0 =	seq.s32 s7, s2  }
0x1e: {  	s7 =	smul.u32 @!p0 $0xF7A, s2;
	p2 =	seq.s32 @!p0 s5, $0x0  }
0x1f: {  	s9 =	smul.u32 $0xF7A, s1;
	s8 =	simm.s32 @!p0 $0x1BF5;
	p2 =	por !p2, p0  }
0x20: {  	[sflag:s8] =	ssyncset.s32 @!p0 $0xFFFFF086;
	s6 =	sadd.s32 @!p0 s3, s7;
	s7 =	simm.s32 @!p0 $0x108  }
0x21: {  	s3 =	sadd.s32 s3, s9;
	s6 =	sadd.s32 @!p0 $0x88, s6;
	s7 =	simm.s32 @p2 $0x1082  }
0x22: {  	[simem:s7], [sflag:s8] =	dma.local @!p0 [hbm:s6], $0xF7A  }
0x23: {  	s9 =	sor.u32 $0xD0000000, s2;
	s6 =	simm.s32 $0x108;
	_ =	swait.ge @!p0 [sflag:s8], $0x0  }
0x24: {  	s3 =	sadd.s32 $0x88, s3;
	s6 =	simm.s32 @!p1 $0x1082;
	[sflag:s4] =	ssyncset.s32 $0xFFFFF086  }
0x25: {  	[simem:s6], [sflag:s4] =	dma.local [hbm:s3], $0xF7A  }
0x26: {  	[smem:$0x3F8F] =	sst s1;
	(tag) =	ssettag s2;
	_ =	strace s9  }
0x27: {  	s1 =	sld [smem:$0x3F9F]  }
0x28: {  	s2 =	sld [smem:$0x3FA0]  }
0x29: {  	s4 =	sld [smem:$0x3FA2]  }
0x2a: {  	p0 =	seq.s32 s5, $0x0;
	s5 =	sld [smem:$0x3FA3]  }
0x2b: {  	s6 =	sld [smem:$0x3FA4]  }
0x2c: {  	s7 =	sld [smem:$0x3FA5]  }
0x2d: {  	s3 =	simm.s32 $0x108;
	s8 =	sld [smem:$0x3FA6]  }
0x2e: {  	s3 =	simm.s32 @!p0 $0x1082;
	s9 =	sld [smem:$0x3FA7]  }
0x2f: {  	lr =	sadd.s32 s0, s3;
	s0 =	sld [smem:$0x3F9E]  }
0x30: {  	s3 =	sld [smem:$0x3FA1]  }
0x31: {  	[smem:$0x3FAA] =	sst s10  }
0x32: {  	s10 =	sld [smem:$0x3FA8];
	_ =	sdelay $0x3  }
0x33: {  	p0 =	seq.s32 s10, $0x1;
	s10 =	sld [smem:$0x3FAA];
	_ =	sdelay $0x3  }
0x34: {  	[smem:$0x3FAA] =	sst s10  }
0x35: {  	s10 =	sld [smem:$0x3FA9];
	_ =	sdelay $0x3  }
0x36: {  	p1 =	seq.s32 s10, $0x1;
	s10 =	sld [smem:$0x3FAA];
	_ =	sdelay $0x3  }
0x37: {  	[smem:$0x3FAA] =	sst s10  }
0x38: {  	s10 =	sld [smem:$0x3FAB]  }
0x39: {  	_ = 	snop;
	(pc) =	sbr.ind lr, $3  }
0x3a: {  	_ = 	snop  }
0x3b: {  	_ = 	snop  }
0x3c: {  	p2 =	seq.s32 s10, $0x1;
	s10 =	sld [smem:$0x3FAA]  }
0x3d: {  	_ =	shalt  }
0x3e: {  	_ =	shalt  }
0x3f: {  	_ =	shalt  }
0x40: {  	_ =	shalt  }
0x41: {  	_ =	shalt  }
0x42: {  	_ =	shalt  }
0x43: {  	_ =	shalt  }
0x44: {  	_ =	shalt  }
0x45: {  	_ =	shalt  }
0x46: {  	_ =	shalt  }
0x47: {  	_ =	shalt  }
0x48: {  	_ =	shalt  }
0x49: {  	_ =	shalt  }
0x4a: {  	_ =	shalt  }
0x4b: {  	_ =	shalt  }
0x4c: {  	_ =	shalt  }
0x4d: {  	_ =	shalt  }
0x4e: {  	_ =	shalt  }
0x4f: {  	_ =	shalt  }
0x50: {  	_ =	shalt  }
0x51: {  	_ =	shalt  }
0x52: {  	_ =	shalt  }
0x53: {  	_ =	shalt  }
0x54: {  	_ =	shalt  }
0x55: {  	_ =	shalt  }
0x56: {  	_ =	shalt  }
0x57: {  	_ =	shalt  }
0x58: {  	_ =	shalt  }
0x59: {  	_ =	shalt  }
0x5a: {  	_ =	shalt  }
0x5b: {  	_ =	shalt  }
0x5c: {  	_ =	shalt  }
0x5d: {  	_ =	shalt  }
0x5e: {  	_ =	shalt  }
0x5f: {  	_ =	shalt  }
0x60: {  	_ =	shalt  }
0x61: {  	_ =	shalt  }
0x62: {  	_ =	shalt  }
0x63: {  	_ =	shalt  }
0x64: {  	_ =	shalt  }
0x65: {  	_ =	shalt  }
0x66: {  	_ =	shalt  }
0x67: {  	_ =	shalt  }
0x68: {  	_ =	shalt  }
0x69: {  	_ =	shalt  }
0x6a: {  	_ =	shalt  }
0x6b: {  	_ =	shalt  }
0x6c: {  	_ =	shalt  }
0x6d: {  	_ =	shalt  }
0x6e: {  	_ =	shalt  }
0x6f: {  	_ =	shalt  }
0x70: {  	_ =	shalt  }
0x71: {  	_ =	shalt  }
0x72: {  	_ =	shalt  }
0x73: {  	_ =	shalt  }
0x74: {  	_ =	shalt  }
0x75: {  	_ =	shalt  }
0x76: {  	_ =	shalt  }
0x77: {  	_ =	shalt  }
0x78: {  	_ =	shalt  }
0x79: {  	_ =	shalt  }
0x7a: {  	_ =	shalt  }
0x7b: {  	_ =	shalt  }
0x7c: {  	_ =	shalt  }
0x7d: {  	_ =	shalt  }
0x7e: {  	_ =	shalt  }
0x7f: {  	_ =	shalt  }
0x80: {  	_ =	shalt  }
0x81: {  	_ =	shalt  }
0x82: {  	_ =	shalt  }
0x83: {  	_ =	shalt  }
0x84: {  	_ =	shalt  }
0x85: {  	_ =	shalt  }
0x86: {  	_ =	shalt  }
0x87: {  	_ =	shalt  }
.Lfunc_end0:
.L_simem_size_0:
called_computation.1_lowered:
.L_overlay_start_0:
0x88: {  	s2 =	sld [smem:$0x3FD9]  }
0x89: {  	s3 =	sld [smem:$0x3FFE];
	_ =	sdelay $0x1  }
0x8a: {  	s1 =	srdreg.scid  }
0x8b: {  	s0 =	sand.u32 $0x1, s1  }
0x8c: {  	s17 =	sshll.u32 s0, $0xA;
	s2 =	sadd.s32 s3, s2  }
0x8d: {  	s2 =	sadd.s32 s2, s17  }
0x8e: {  	[smem:$0x3FB6] =	sst s2  }
0x8f: {  	_ = 	snop  }
0x90: {  	s2 =	sld [smem:$0x3FD0];
	(tm) =	ssettm $0x1  }
0x91: {  	s18 =	sld [smem:$0x3FFB];
	_ =	sdelay $0x3  }
0x92: {  	_ =	strace s18  }
0x93: {  	s3 =	sld [smem:$0x3FFC];
	_ =	sdelay $0x3  }
0x94: {  	_ =	strace s3  }
0x95: {  	s3 =	sld [smem:$0x3FFD];
	_ =	sdelay $0x3  }
0x96: {  	_ =	strace s3  }
0x97: {  	_ =	strace $0x8FFFFFFF  }
0x98: {  	s19 =	sld [smem:$0x3FDB];
	_ =	sdelay $0x1  }
0x99: {  	s4 =	simm.s32 $_scs_section_size  }
0x9a: {  	s5 =	simm.s32 $_size__tile_overlayer_lowered;
	s6 =	simm.s32 $_tile_overlayer_lowered  }
0x9b: {  	s22 =	simm.s32 $0x1BFF;
	s21 =	sshll.u32 s6, $0x1;
	s3 =	sadd.s32 s4, s19  }
0x9c: {  	s7 =	simm.s32 $0x0;
	s20 =	sshll.u32 s5, $0x1;
	s5 =	sadd.s32 s21, s3  }
0x9d: {  	[timem:s7], [sflag:s22] =	dma.local [hbm:s5], s20  }
0x9e: {  	_ =	swait.ge [sflag:s22], s20  }
0x9f: {  	s4 =	ssub.s32 $0x0, s20;
	[sflag:s22] =	ssyncset.done $0x0  }
0xa0: {  	[sflag:s22] =	ssyncadd.s32 s4;
	_ =	sdelay $0x1  }
0xa1: {  	s23 =	simm.s32 $0x1B8B  }
0xa2: {  	_ =	swait.ge [sflag:s23], $0x1  }
0xa3: {  	[sflag:s23] =	ssyncset.done $0x0  }
0xa4: {  	s25 =	simm.s32 $0x1B8E;
	s24 =	sld [smem:$0x3FFE];
	[sflag:s23] =	ssyncadd.s32 $0xFFFFFFFF  }
0xa5: {  	s26 =	simm.s32 $execute0_lowered;
	[smem:$0x3FD2] =	sst s25  }
0xa6: {  	s5 =	sshll.u32 s26, $0x1;
	_ =	strace $0x80000049;
	[dreg:$0x1] =	wrdreg $0xFFFFFFFF  }
0xa7: {  	s28 =	simm.s32 $_size_execute0_lowered;
	s3 =	sadd.s32 s3, s5;
	[dreg:$0x0] =	wrdreg $0x0  }
0xa8: {  	s5 =	sshll.u32 s28, $0x1;
	[dreg:$0x2] =	wrdreg s3  }
0xa9: {  	[dreg:$0x3] =	wrdreg s5  }
0xaa: {  	[dreg:$0x4] =	wrdreg $0xC0  }
0xab: {  	_ =	task [dreg:s7], $0x5FFFF  }
0xac: {  	[dreg:$0x1] =	wrdreg $0xFFFFFFFF  }
0xad: {  	[dreg:$0x0] =	wrdreg $0x60  }
0xae: {  	[dreg:$0x2] =	wrdreg s24  }
0xaf: {  	[dreg:$0x3] =	wrdreg s2  }
0xb0: {  	[dreg:$0x4] =	wrdreg $0x9  }
0xb1: {  	_ =	task.clear_ibuf [dreg:s7], $0x5FFFF;
	_ =	strace $0x90000049  }
0xb2: {  	s29 =	simm.s32 $0x9;
	_ =	strace $0x8000004B  }
0xb3: {  	_ =	swait.ge [sflag:s29], $0x1  }
0xb4: {  	[sflag:s29] =	ssyncadd.s32 $0xFFFFFFFF  }
0xb5: {  	_ =	strace $0x9000004B  }
0xb6: {  	_ =	sfence  }
0xb7: {  	s30 =	sld [smem:$0x0];
	_ =	sdelay $0x2  }
0xb8: {  	s31 =	sshll.u32 s1, $0xD;
	s1 =	sshrl.u32 s1, $0x2  }
0xb9: {  	s3 =	sand.u32 $0x4000, s31;
	s1 =	sadd.s32 s1, s30  }
0xba: {  	s0 =	sor.u32 s3, s0;
	s1 =	sshll.u32 s1, $0x11  }
0xbb: {  	s0 =	sor.u32 s1, s0  }
0xbc: {  	s0 =	sadd.s32 $0x8F2B, s0  }
0xbd: {  	[sflag:s0] =	ssyncadd.remote.s32 $0x1  }
0xbe: {  	_ =	sfence.sel $0xFFFF  }
0xbf: {  	[dreg:$0x0] =	wrdreg $0xFFFFFFFF;
	(pc) =	sbr.abs _section_cstart, $3  }
0xc0: {  	[dreg:$0x1] =	wrdreg $0xFFFFFFFF  }
0xc1: {  	_ =	task.clear_ibuf [dreg:s7], $0x2FFFF;
	_ =	strace $0x9FFFFFFF  }
0xc2: {  	(tm) =	ssettm $0x7FFFFFFF  }
0xc3: {  	_ =	shalt  }
tec
execute0_lowered:
.L_overlay_start_1:
0x0: {  	(tag) =	ssettag $0x1  }
0x1: {  	s5 =	rddreg [dreg:$0x0]  }
0x2: {  	s7 =	rddreg [dreg:$0x1]  }
0x3: {  	s3 =	srdreg.scid;
	s2 =	simm.s32 $0x0;
	s0 =	stileid.u32  }
0x4: {  	s11 =	simm.s32 $0x2;
	s12 =	simm.s32 $0x10600;
	s13 =	simm.s32 $0x1  }
0x5: {  	s14 =	simm.s32 $0x80;
	s15 =	simm.s32 $0x400;
	s16 =	simm.s32 $0x10000  }
0x6: {  	s17 =	simm.s32 $0x0;
	s4 =	sand.u32 $0x1, s3;
	[smem:$0x7FF] =	sst s2  }
0x7: {  	s30 =	sshll.u32 s0, $0x7;
	s6 =	sshll.u32 s4, $0x6;
	s31 =	ssub.s32 $0x2, s4  }
0x8: {  	_ =	strace $0x8000004A;
	s3 =	sor.u32 s6, s30;
	s9 =	sshrl.u32 s31, $0x1  }
0x9: {  	s4 =	sadd.s32 $0x44B200, s5;
	s8 =	sshll.u32 s3, $0x4;
	s9 =	ssub.s32 s31, s9  }
0xa: {  	s10 =	sadd.s32 s8, s5;
	s5 =	sadd.s32 $0x84B200, s5;
	s7 =	sadd.s32 s7, s8  }
0xb: {  	s8 =	smax.u32 s9, $0x1;
	s6 =	sadd.s32 $0x3000, s10;
	s10 =	simm.s32 $0x40000  }
.LBB2_1:
0xc: {  	s0 =	simm.s32 $0x2000  }
0xd: {  	[tilespmem:s2], [sflag:$0x2] =	stream.strided.gather [hbm4b:s6+s0], $0x10000, s10, s0, $0x38;
	[tilespmem:$0x12600] =	vst v63  }
0xe: {  	_ =	swait.ge [sflag:s11], $0x10000  }
0xf: {  	[sflag:s11] =	ssyncset.done $0x0  }
0x10: {  	[sflag:s11] =	ssyncadd.s32 $0xFFFF0000  }
0x11: {  	[tilespmem:s12], [sflag:$0x2] =	stream.linear.gather [hbm4b:s7+s2], $0x2000, $0x38;
	[tilespmem:$0x12600] =	vst v63  }
0x12: {  	_ =	swait.ge [sflag:s11], $0x2000  }
0x13: {  	[sflag:s11] =	ssyncset.done $0x0  }
0x14: {  	s18 =	simm.s32 $0x0;
	[sflag:s11] =	ssyncadd.s32 $0xFFFFE000  }
.LBB2_2:
0x15: {  	s19 =	sshll.u32 s18, $0x7  }
0x16: {  	v0 =	vld [tilespmem:s19+$0x10600]  }
0x17: {  	s21 =	simm.s32 $0x0  }
0x18: {  	s23 =	simm.s32 $0x0;
	s21 =	sand.u32 $0x3FFFE000, s21  }
0x19: {  	s22 =	sand.u32 $0x30, s23;
	s21 =	sadd.s32 s21, s19  }
0x1a: {  	s21 =	sadd.s32 s22, s21  }
0x1b: {  	(v2sf) =	vpush v0, $0x0;
	v0 =	vld [tilespmem:s21+$0x0];
	_ =	sdelay $0x4  }
0x1c: {  	(v2sf) =	vpush v0, $0x8  }
0x1d: {  	(v2sf) =	vpush v0, $0x0;
	_ =	sdelay $0x1  }
0x1e: {  	(v2sf) =	vpush v0, $0x1;
	_ =	sdelay $0x2  }
0x1f: {  	(v2sf) =	vpush v0, $0x2;
	_ =	sdelay $0x1  }
0x20: {  	(v2sf) =	vpush v0, $0x3;
	_ =	sdelay $0x4  }
0x21: {  	s24 =	simm.s32 $0x0;
	(v2sf) =	vpush v0, $0x4  }
0x22: {  	s28 =	simm.s32 $0x1;
	s0 =	simm.s32 $0x800;
	s20 =	spop (v2sf)  }
0x23: {  	s29 =	simm.s32 $0x1;
	s24 =	sand.u32 $0xFFFFFFC0, s24;
	(v2sf) =	vpush v0, $0x5;
	s25 =	spop (v2sf)  }
0x24: {  	s22 =	sor.u32 s22, s24;
	s24 =	simm.s32 $0x10;
	s26 =	spop (v2sf)  }
0x25: {  	[smem:s23] =	sst s22;
	s30 =	sor.u32 $0x1, s22;
	(v2sf) =	vpush v0, $0x6;
	p0 =	sle.f32 s26, s20  }
0x26: {  	s1 =	sor.u32 $0x4, s22;
	s9 =	sor.u32 $0x5, s22;
	s31 =	spop (v2sf);
	(v2sf) =	vpush v0, $0x7  }
0x27: {  	s21 =	simm.s32 $0x1;
	s26 =	sand.u32 $0x3FFFE000, s0;
	s28 =	simm.s32 @!p0 $0x0  }
0x28: {  	s0 =	sor.u32 $0x6, s22;
	p0 =	sle.f32 s31, s20;
	s23 =	sadd.s32 $0x0, s28  }
0x29: {  	s26 =	sadd.s32 s26, s19;
	s28 =	spop (v2sf);
	p1 =	slt.s32 s23, $0x30  }
0x2a: {  	(v2sf) =	vpush v0, $0xF;
	s29 =	simm.s32 @!p0 $0x0;
	p0 =	sle.f32 s28, s20;
	s23 =	simm.s32 @!p1 $0x30  }
0x2b: {  	s28 =	simm.s32 $0x1;
	s31 =	spop (v2sf);
	s29 =	sadd.s32 s29, s23  }
0x2c: {  	[smem:s23] =	sst s30;
	s23 =	sand.u32 $0x30, s24;
	p1 =	slt.s32 s29, $0x30  }
0x2d: {  	s28 =	simm.s32 @!p0 $0x0;
	p0 =	sle.f32 s31, s20;
	s29 =	simm.s32 @!p1 $0x30  }
0x2e: {  	s30 =	sor.u32 $0x2, s22;
	s31 =	simm.s32 $0x1;
	s28 =	sadd.s32 s28, s29  }
0x2f: {  	s31 =	simm.s32 @!p0 $0x0;
	[smem:s29] =	sst s30;
	p1 =	slt.s32 s28, $0x30  }
0x30: {  	s29 =	spop (v2sf);
	s30 =	sor.u32 $0x3, s22;
	s28 =	simm.s32 @!p1 $0x30  }
0x31: {  	(v2sf) =	vpush v0, $0x9;
	p0 =	sle.f32 s29, s20;
	[smem:s28] =	sst s30;
	s28 =	sadd.s32 s31, s28  }
0x32: {  	s29 =	spop (v2sf);
	s30 =	simm.s32 $0x1;
	p1 =	slt.s32 s28, $0x30  }
0x33: {  	s30 =	simm.s32 @!p0 $0x0;
	p0 =	sle.f32 s29, s20;
	s28 =	simm.s32 @!p1 $0x30  }
0x34: {  	(v2sf) =	vpush v0, $0xA;
	s29 =	spop (v2sf);
	[smem:s28] =	sst s1;
	s28 =	sadd.s32 s30, s28  }
0x35: {  	s30 =	simm.s32 $0x1;
	s31 =	spop (v2sf);
	p1 =	slt.s32 s28, $0x30  }
0x36: {  	s30 =	simm.s32 @!p0 $0x0;
	p0 =	sle.f32 s29, s20;
	s28 =	simm.s32 @!p1 $0x30  }
0x37: {  	(v2sf) =	vpush v0, $0xB;
	s29 =	sor.u32 $0x7, s22;
	s1 =	sadd.s32 s30, s28;
	[smem:s28] =	sst s9  }
0x38: {  	s28 =	simm.s32 $0x1;
	s9 =	sadd.s32 s23, s26;
	p1 =	slt.s32 s1, $0x30  }
0x39: {  	s26 =	spop (v2sf);
	s28 =	simm.s32 @!p0 $0x0;
	s1 =	simm.s32 @!p1 $0x30  }
0x3a: {  	(v2sf) =	vpush v0, $0xC;
	p0 =	sle.f32 s31, s20;
	p1 =	sle.f32 s25, s20;
	s30 =	sadd.s32 s28, s1  }
0x3b: {  	s25 =	simm.s32 $0x2;
	s28 =	simm.s32 $0x1;
	p2 =	slt.s32 s30, $0x30  }
0x3c: {  	(v2sf) =	vpush v0, $0xD;
	v1 =	vld [tilespmem:s9+$0x0];
	[smem:s1] =	sst s0;
	s28 =	simm.s32 @!p0 $0x0;
	s30 =	simm.s32 @!p2 $0x30  }
.LBB2_3:
0x3d: {  	p0 =	seq.s32 s25, $0x1F  }
0x3e: {  	[smem:s30] =	sst s29;
	s0 =	sadd.s32 s28, s30;
	s29 =	smov.u32 s21  }
0x3f: {  	s9 =	sor.u32 $0x8, s22;
	s21 =	simm.s32 $0x1;
	s28 =	simm.s32 $0x1  }
0x40: {  	s24 =	sadd.s32 $0x10, s24;
	p2 =	slt.s32 s0, $0x30;
	s1 =	spop (v2sf);
	(v2sf) =	vpush v0, $0xE  }
0x41: {  	s21 =	simm.s32 @!p1 $0x0;
	s0 =	simm.s32 @!p2 $0x30;
	p1 =	sle.f32 s1, s20  }
0x42: {  	[smem:s0] =	sst s9;
	s0 =	sadd.s32 s21, s0;
	s21 =	smov.u32 s25  }
0x43: {  	s9 =	sor.u32 $0x9, s22;
	(v2sf) =	vpush v1, $0x8;
	p2 =	slt.s32 s0, $0x30;
	s1 =	spop (v2sf);
	v0 =	vmov v1  }
0x44: {  	s28 =	simm.s32 @!p1 $0x0;
	s0 =	simm.s32 @!p2 $0x30;
	p1 =	sle.f32 s1, s20  }
0x45: {  	[smem:s0] =	sst s9;
	s0 =	sadd.s32 s28, s0;
	s9 =	sor.u32 $0xA, s22  }
0x46: {  	s28 =	simm.s32 $0x1;
	(v2sf) =	vpush v0, $0x0;
	p2 =	slt.s32 s0, $0x30;
	s1 =	spop (v2sf)  }
0x47: {  	s28 =	simm.s32 @!p1 $0x0;
	s0 =	simm.s32 @!p2 $0x30;
	p1 =	sle.f32 s1, s20  }
0x48: {  	[smem:s0] =	sst s9;
	s0 =	sadd.s32 s28, s0;
	s9 =	sor.u32 $0xB, s22  }
0x49: {  	s28 =	simm.s32 $0x1;
	(v2sf) =	vpush v0, $0x1;
	p2 =	slt.s32 s0, $0x30;
	s1 =	spop (v2sf)  }
0x4a: {  	s28 =	simm.s32 @!p1 $0x0;
	s0 =	simm.s32 @!p2 $0x30;
	p1 =	sle.f32 s1, s20  }
0x4b: {  	[smem:s0] =	sst s9;
	s0 =	sadd.s32 s28, s0;
	s9 =	sor.u32 $0xC, s22  }
0x4c: {  	s28 =	simm.s32 $0x1;
	(v2sf) =	vpush v0, $0x2;
	p2 =	slt.s32 s0, $0x30;
	s1 =	spop (v2sf)  }
0x4d: {  	s28 =	simm.s32 @!p1 $0x0;
	s0 =	simm.s32 @!p2 $0x30;
	p1 =	sle.f32 s1, s20  }
0x4e: {  	[smem:s0] =	sst s9;
	s0 =	sadd.s32 s28, s0;
	s9 =	sor.u32 $0xD, s22  }
0x4f: {  	s28 =	simm.s32 $0x1;
	(v2sf) =	vpush v0, $0x3;
	p2 =	slt.s32 s0, $0x30;
	s1 =	spop (v2sf)  }
0x50: {  	s28 =	simm.s32 @!p1 $0x0;
	s0 =	simm.s32 @!p2 $0x30;
	p1 =	sle.f32 s1, s20  }
0x51: {  	s1 =	sor.u32 $0xE, s22;
	[smem:s0] =	sst s9;
	s0 =	sadd.s32 s28, s0  }
0x52: {  	s9 =	simm.s32 $0x1;
	(v2sf) =	vpush v0, $0x4;
	s28 =	spop (v2sf);
	p2 =	slt.s32 s0, $0x30  }
0x53: {  	s9 =	simm.s32 @!p1 $0x0;
	p1 =	sle.f32 s26, s20;
	s0 =	simm.s32 @!p2 $0x30  }
0x54: {  	s22 =	sor.u32 $0xF, s22;
	s26 =	simm.s32 $0x1;
	[smem:s0] =	sst s1  }
0x55: {  	s0 =	sadd.s32 s9, s0;
	s1 =	sshll.u32 s29, $0x4;
	s26 =	simm.s32 @!p1 $0x0  }
0x56: {  	s29 =	simm.s32 $0x1;
	s9 =	spop (v2sf);
	(v2sf) =	vpush v0, $0x5;
	p2 =	slt.s32 s0, $0x30  }
0x57: {  	s1 =	sand.u32 $0xFFFFFFC0, s1;
	s0 =	simm.s32 @!p2 $0x30;
	p1 =	sle.f32 s9, s20  }
0x58: {  	[smem:s0] =	sst s22;
	s0 =	sadd.s32 s26, s0;
	s22 =	sor.u32 s23, s1  }
0x59: {  	s1 =	simm.s32 $0x1;
	s26 =	simm.s32 $0x1;
	s9 =	spop (v2sf)  }
0x5a: {  	(v2sf) =	vpush v0, $0x6;
	p2 =	slt.s32 s0, $0x30;
	s1 =	simm.s32 @!p1 $0x0;
	s23 =	sor.u32 $0x1, s22  }
0x5b: {  	s30 =	sor.u32 $0x6, s22;
	s0 =	simm.s32 @!p2 $0x30;
	p1 =	sle.f32 s9, s20  }
0x5c: {  	[smem:s0] =	sst s22;
	s0 =	sadd.s32 s1, s0;
	s1 =	sshll.u32 s25, $0xB  }
0x5d: {  	p2 =	slt.s32 s0, $0x30;
	s9 =	spop (v2sf);
	(v2sf) =	vpush v0, $0x7;
	s26 =	simm.s32 @!p1 $0x0  }
0x5e: {  	s1 =	sand.u32 $0x3FFFE000, s1;
	s0 =	simm.s32 @!p2 $0x30;
	p1 =	sle.f32 s9, s20  }
0x5f: {  	s1 =	sadd.s32 s1, s19;
	[smem:s0] =	sst s23;
	s0 =	sadd.s32 s26, s0  }
0x60: {  	s23 =	sand.u32 $0x30, s24;
	p2 =	slt.s32 s0, $0x30;
	s9 =	spop (v2sf);
	(v2sf) =	vpush v0, $0xF  }
0x61: {  	s26 =	sor.u32 $0x2, s22;
	s29 =	simm.s32 @!p1 $0x0;
	s0 =	simm.s32 @!p2 $0x30  }
0x62: {  	p1 =	sle.f32 s9, s20;
	[smem:s0] =	sst s26;
	s0 =	sadd.s32 s29, s0  }
0x63: {  	s29 =	simm.s32 $0x1;
	p2 =	slt.s32 s0, $0x30;
	s9 =	spop (v2sf);
	(v2sf) =	vpush v0, $0x9  }
0x64: {  	s26 =	sor.u32 $0x3, s22;
	s29 =	simm.s32 @!p1 $0x0;
	s0 =	simm.s32 @!p2 $0x30  }
0x65: {  	s1 =	sadd.s32 s23, s1;
	p1 =	sle.f32 s9, s20;
	[smem:s0] =	sst s26  }
0x66: {  	s0 =	sadd.s32 s29, s0;
	s26 =	sor.u32 $0x4, s22;
	s29 =	simm.s32 $0x1  }
0x67: {  	p2 =	slt.s32 s0, $0x30;
	s9 =	spop (v2sf);
	(v2sf) =	vpush v0, $0xA;
	s29 =	simm.s32 @!p1 $0x0  }
0x68: {  	s0 =	simm.s32 @!p2 $0x30;
	p1 =	sle.f32 s9, s20;
	s9 =	sor.u32 $0x5, s22  }
0x69: {  	[smem:s0] =	sst s26;
	s0 =	sadd.s32 s29, s0;
	s29 =	simm.s32 $0x1  }
0x6a: {  	p2 =	slt.s32 s0, $0x30;
	s26 =	spop (v2sf);
	(v2sf) =	vpush v0, $0xB;
	s29 =	simm.s32 @!p1 $0x0  }
0x6b: {  	s0 =	simm.s32 @!p2 $0x30;
	p1 =	sle.f32 s26, s20;
	s26 =	simm.s32 $0x1  }
0x6c: {  	[smem:s0] =	sst s9;
	s0 =	sadd.s32 s29, s0;
	s29 =	sor.u32 $0x7, s22  }
.Ltmp0:
0x6d: {  	p2 =	slt.s32 s0, $0x30;
	s9 =	spop (v2sf);
	(v2sf) =	vpush v0, $0xC;
	(pc) =	sbr.rel @!p0 .LBB2_3-.Ltmp0, $4  }
0x6e: {  	s26 =	simm.s32 @!p1 $0x0;
	p1 =	sle.f32 s28, s20;
	s0 =	simm.s32 @!p2 $0x30  }
0x6f: {  	p2 =	sle.f32 s9, s20;
	[smem:s0] =	sst s30;
	s30 =	sadd.s32 s26, s0  }
0x70: {  	s28 =	simm.s32 $0x1;
	p3 =	slt.s32 s30, $0x30;
	(v2sf) =	vpush v0, $0xD;
	s26 =	spop (v2sf)  }
0x71: {  	s25 =	sadd.s32 $0x1, s25;
	s28 =	simm.s32 @!p2 $0x0;
	v1 =	vld [tilespmem:s1+$0x0];
	s30 =	simm.s32 @!p3 $0x30  }
0x72: {  	[smem:s30] =	sst s29;
	s0 =	sadd.s32 s28, s30  }
0x73: {  	s1 =	spop (v2sf);
	s9 =	simm.s32 $0x1;
	p0 =	slt.s32 s0, $0x30  }
0x74: {  	(v2sf) =	vpush v0, $0xE;
	s24 =	sor.u32 $0x8, s22;
	s9 =	simm.s32 @!p1 $0x0;
	s0 =	simm.s32 @!p0 $0x30  }
0x75: {  	p0 =	sle.f32 s1, s20;
	[smem:s0] =	sst s24;
	s0 =	sadd.s32 s9, s0  }
0x76: {  	s28 =	sor.u32 $0x9, s22;
	s9 =	simm.s32 $0x1;
	p1 =	slt.s32 s0, $0x30  }
0x77: {  	s25 =	spop (v2sf);
	s9 =	simm.s32 @!p0 $0x0;
	s0 =	simm.s32 @!p1 $0x30  }
0x78: {  	p0 =	sle.f32 s25, s20;
	[smem:s0] =	sst s28;
	s0 =	sadd.s32 s9, s0  }
0x79: {  	s30 =	sor.u32 $0xA, s22;
	(v2sf) =	vpush v1, $0x8;
	s9 =	simm.s32 $0x1;
	p1 =	slt.s32 s0, $0x30  }
0x7a: {  	(v2sf) =	vpush v1, $0x0;
	s29 =	spop (v2sf);
	s9 =	simm.s32 @!p0 $0x0;
	s0 =	simm.s32 @!p1 $0x30  }
0x7b: {  	p0 =	sle.f32 s29, s20;
	[smem:s0] =	sst s30;
	s0 =	sadd.s32 s9, s0  }
0x7c: {  	s25 =	sor.u32 $0xB, s22;
	s9 =	simm.s32 $0x1;
	p1 =	slt.s32 s0, $0x30  }
0x7d: {  	(v2sf) =	vpush v1, $0x1;
	s31 =	spop (v2sf);
	s9 =	simm.s32 @!p0 $0x0;
	s0 =	simm.s32 @!p1 $0x30  }
0x7e: {  	p0 =	sle.f32 s31, s20;
	[smem:s0] =	sst s25;
	s0 =	sadd.s32 s9, s0  }
0x7f: {  	s29 =	sor.u32 $0xC, s22;
	s9 =	simm.s32 $0x1;
	p1 =	slt.s32 s0, $0x30  }
0x80: {  	(v2sf) =	vpush v1, $0x2;
	s28 =	spop (v2sf);
	s9 =	simm.s32 @!p0 $0x0;
	s0 =	simm.s32 @!p1 $0x30  }
0x81: {  	p0 =	sle.f32 s28, s20;
	[smem:s0] =	sst s29;
	s0 =	sadd.s32 s9, s0  }
0x82: {  	s31 =	sor.u32 $0xD, s22;
	s9 =	simm.s32 $0x1;
	p1 =	slt.s32 s0, $0x30  }
0x83: {  	(v2sf) =	vpush v1, $0x3;
	s30 =	spop (v2sf);
	s9 =	simm.s32 @!p0 $0x0;
	s0 =	simm.s32 @!p1 $0x30  }
0x84: {  	p0 =	sle.f32 s30, s20;
	[smem:s0] =	sst s31;
	s0 =	sadd.s32 s9, s0  }
0x85: {  	s1 =	simm.s32 $0x1;
	s25 =	sor.u32 $0xE, s22;
	p1 =	slt.s32 s0, $0x30  }
0x86: {  	s28 =	sor.u32 $0xF, s22;
	(v2sf) =	vpush v1, $0x4;
	s1 =	simm.s32 @!p0 $0x0;
	s0 =	simm.s32 @!p1 $0x30  }
0x87: {  	p0 =	sle.f32 s26, s20;
	[smem:s0] =	sst s25;
	s0 =	sadd.s32 s1, s0  }
0x88: {  	s9 =	simm.s32 $0x1;
	s24 =	spop (v2sf);
	p1 =	slt.s32 s0, $0x30  }
0x89: {  	s26 =	spop (v2sf);
	(v2sf) =	vpush v1, $0x5;
	s9 =	simm.s32 @!p0 $0x0;
	s0 =	simm.s32 @!p1 $0x30  }
0x8a: {  	p0 =	sle.f32 s26, s20;
	[smem:s0] =	sst s28;
	s0 =	sadd.s32 s9, s0  }
0x8b: {  	s21 =	sshll.u32 s21, $0x4;
	s9 =	simm.s32 $0x1;
	p1 =	slt.s32 s0, $0x30  }
0x8c: {  	s29 =	spop (v2sf);
	(v2sf) =	vpush v1, $0x6;
	s9 =	simm.s32 @!p0 $0x0;
	s0 =	simm.s32 @!p1 $0x30  }
0x8d: {  	s21 =	sand.u32 $0xFFFFFFC0, s21;
	p0 =	sle.f32 s29, s20;
	s9 =	sadd.s32 s9, s0  }
0x8e: {  	s21 =	sor.u32 s23, s21;
	s22 =	simm.s32 $0x1;
	p1 =	slt.s32 s9, $0x30  }
0x8f: {  	(v2sf) =	vpush v1, $0x7;
	s30 =	spop (v2sf);
	s22 =	simm.s32 @!p0 $0x0;
	s9 =	simm.s32 @!p1 $0x30  }
0x90: {  	[smem:s0] =	sst s21;
	p0 =	sle.f32 s30, s20;
	s0 =	sadd.s32 s22, s9  }
0x91: {  	s23 =	sor.u32 $0x1, s21;
	s22 =	simm.s32 $0x1;
	p1 =	slt.s32 s0, $0x30  }
0x92: {  	s31 =	spop (v2sf);
	s22 =	simm.s32 @!p0 $0x0;
	s0 =	simm.s32 @!p1 $0x30  }
0x93: {  	[smem:s9] =	sst s23;
	p0 =	sle.f32 s31, s20;
	s9 =	sadd.s32 s22, s0  }
0x94: {  	s26 =	sor.u32 $0x2, s21;
	(v2sf) =	vpush v1, $0xF;
	s22 =	simm.s32 $0x1;
	p1 =	slt.s32 s9, $0x30  }
0x95: {  	s25 =	spop (v2sf);
	(v2sf) =	vpush v1, $0x9;
	s22 =	simm.s32 @!p0 $0x0;
	s9 =	simm.s32 @!p1 $0x30  }
0x96: {  	[smem:s0] =	sst s26;
	p0 =	sle.f32 s25, s20;
	s0 =	sadd.s32 s22, s9  }
0x97: {  	s29 =	sor.u32 $0x3, s21;
	s22 =	simm.s32 $0x1;
	p1 =	slt.s32 s0, $0x30  }
0x98: {  	s28 =	spop (v2sf);
	(v2sf) =	vpush v1, $0xA;
	s22 =	simm.s32 @!p0 $0x0;
	s0 =	simm.s32 @!p1 $0x30  }
0x99: {  	[smem:s9] =	sst s29;
	p0 =	sle.f32 s28, s20;
	s9 =	sadd.s32 s22, s0  }
0x9a: {  	s31 =	sor.u32 $0x4, s21;
	s22 =	simm.s32 $0x1;
	p1 =	slt.s32 s9, $0x30  }
0x9b: {  	s30 =	spop (v2sf);
	(v2sf) =	vpush v1, $0xB;
	s22 =	simm.s32 @!p0 $0x0;
	s9 =	simm.s32 @!p1 $0x30  }
0x9c: {  	[smem:s0] =	sst s31;
	p0 =	sle.f32 s30, s20;
	s0 =	sadd.s32 s22, s9  }
0x9d: {  	s22 =	simm.s32 $0x1;
	p1 =	slt.s32 s0, $0x30  }
0x9e: {  	s25 =	spop (v2sf);
	(v2sf) =	vpush v1, $0xC;
	s22 =	simm.s32 @!p0 $0x0;
	s0 =	simm.s32 @!p1 $0x30  }
0x9f: {  	p0 =	sle.f32 s25, s20;
	s22 =	sadd.s32 s22, s0  }
0xa0: {  	s1 =	simm.s32 $0x1;
	s23 =	simm.s32 $0x1;
	p1 =	slt.s32 s22, $0x30  }
0xa1: {  	s26 =	sor.u32 $0x5, s21;
	(v2sf) =	vpush v1, $0xD;
	s1 =	simm.s32 @!p0 $0x0;
	s22 =	simm.s32 @!p1 $0x30  }
0xa2: {  	s29 =	sor.u32 $0x6, s21;
	p0 =	sle.f32 s24, s20;
	s1 =	sadd.s32 s1, s22  }
0xa3: {  	[smem:s9] =	sst s26;
	s28 =	spop (v2sf);
	p1 =	slt.s32 s1, $0x30  }
0xa4: {  	(v2sf) =	vpush v1, $0xE;
	s9 =	spop (v2sf);
	s23 =	simm.s32 @!p0 $0x0;
	s1 =	simm.s32 @!p1 $0x30  }
0xa5: {  	[smem:s0] =	sst s29;
	p0 =	sle.f32 s9, s20;
	s0 =	sadd.s32 s23, s1  }
0xa6: {  	s31 =	sor.u32 $0x7, s21;
	s23 =	simm.s32 $0x1;
	p1 =	slt.s32 s0, $0x30  }
0xa7: {  	s30 =	spop (v2sf);
	s23 =	simm.s32 @!p0 $0x0;
	s0 =	simm.s32 @!p1 $0x30  }
0xa8: {  	[smem:s22] =	sst s31;
	p0 =	sle.f32 s30, s20;
	s22 =	sadd.s32 s23, s0  }
0xa9: {  	s26 =	sor.u32 $0x8, s21;
	s23 =	simm.s32 $0x1;
	p1 =	slt.s32 s22, $0x30  }
0xaa: {  	s25 =	spop (v2sf);
	s23 =	simm.s32 @!p0 $0x0;
	s22 =	simm.s32 @!p1 $0x30  }
0xab: {  	[smem:s1] =	sst s26;
	p0 =	sle.f32 s25, s20;
	s1 =	sadd.s32 s23, s22  }
0xac: {  	s29 =	sor.u32 $0x9, s21;
	s23 =	simm.s32 $0x1;
	p1 =	slt.s32 s1, $0x30  }
0xad: {  	s28 =	spop (v2sf);
	s23 =	simm.s32 @!p0 $0x0;
	s1 =	simm.s32 @!p1 $0x30  }
0xae: {  	[smem:s0] =	sst s29;
	p0 =	sle.f32 s28, s20;
	s0 =	sadd.s32 s23, s1  }
0xaf: {  	s31 =	sor.u32 $0xA, s21;
	s23 =	simm.s32 $0x1;
	p1 =	slt.s32 s0, $0x30  }
0xb0: {  	s30 =	spop (v2sf);
	s23 =	simm.s32 @!p0 $0x0;
	s0 =	simm.s32 @!p1 $0x30  }
0xb1: {  	[smem:s22] =	sst s31;
	p0 =	sle.f32 s30, s20;
	s22 =	sadd.s32 s23, s0  }
0xb2: {  	s23 =	simm.s32 $0x1;
	p1 =	slt.s32 s22, $0x30  }
0xb3: {  	s24 =	spop (v2sf);
	s23 =	simm.s32 @!p0 $0x0;
	s22 =	simm.s32 @!p1 $0x30  }
0xb4: {  	s25 =	sor.u32 $0xB, s21;
	p0 =	sle.f32 s24, s20;
	s23 =	sadd.s32 s23, s22  }
0xb5: {  	[smem:s1] =	sst s25;
	s1 =	simm.s32 $0x1;
	p1 =	slt.s32 s23, $0x30  }
0xb6: {  	s26 =	sor.u32 $0xC, s21;
	s1 =	simm.s32 @!p0 $0x0;
	s23 =	simm.s32 @!p1 $0x30  }
0xb7: {  	s28 =	sor.u32 $0xD, s21;
	[smem:s0] =	sst s26;
	s1 =	sadd.s32 s1, s23  }
0xb8: {  	s29 =	sor.u32 $0xE, s21;
	[smem:s22] =	sst s28;
	p0 =	slt.s32 s1, $0x30  }
0xb9: {  	s30 =	sor.u32 $0xF, s21;
	[smem:s23] =	sst s29;
	s1 =	simm.s32 @!p0 $0x30  }
0xba: {  	[smem:s1] =	sst s30  }
0xbb: {  	s0 =	sld [smem:$0x0];
	_ =	sdelay $0x1  }
0xbc: {  	s20 =	sor.u32 s3, s18  }
0xbd: {  	s22 =	sshll.u32 s20, $0xE;
	s31 =	sld [smem:$0x1];
	s0 =	sshll.u32 s0, $0x5  }
0xbe: {  	s0 =	sadd.s32 s22, s0  }
0xbf: {  	s21 =	simm.s32 $0x10000;
	s0 =	sshrl.u32 s0, $0x3  }
0xc0: {  	s23 =	simm.s32 $0x8;
	s24 =	sshll.u32 s31, $0x5;
	s0 =	sadd.s32 s4, s0  }
0xc1: {  	[tilespmem:s21], [sflag:$0x1] =	stream.linear.gather [hbm4b:s0+s2], $0x20, $0x38;
	[tilespmem:$0x12600] =	vst v63  }
.LBB2_5:
0xc2: {  	s0 =	sshra.s32 s23, $0x2;
	s1 =	sadd.s32 s22, s24;
	p0 =	sne.s32 s23, $0xBC  }
.Ltmp1:
0xc3: {  	s23 =	sadd.s32 $0x4, s23;
	s1 =	sshrl.u32 s1, $0x3;
	(pc) =	sbr.rel @p0 .LBB2_5-.Ltmp1, $4  }
0xc4: {  	s21 =	sadd.s32 $0x20, s21;
	s0 =	sld [smem:s0+$0x0];
	s1 =	sadd.s32 s4, s1  }
0xc5: {  	[tilespmem:s21], [sflag:$0x1] =	stream.linear.gather [hbm4b:s1+s2], $0x20, $0x38;
	[tilespmem:$0x12600] =	vst v63  }
0xc6: {  	_ = 	snop  }
0xc7: {  	s24 =	sshll.u32 s0, $0x5  }
0xc8: {  	s0 =	sadd.s32 s22, s24  }
0xc9: {  	s0 =	sshrl.u32 s0, $0x3  }
0xca: {  	s1 =	sadd.s32 $0x20, s21;
	s0 =	sadd.s32 s4, s0  }
0xcb: {  	[tilespmem:s1], [sflag:$0x1] =	stream.linear.gather [hbm4b:s0+s2], $0x20, $0x38;
	[tilespmem:$0x12600] =	vst v63  }
0xcc: {  	_ =	swait.ge [sflag:s13], $0x20  }
0xcd: {  	s21 =	simm.s32 $0x2F;
	[sflag:s13] =	ssyncset.done $0x0  }
.LBB2_7:
0xce: {  	p0 =	sne.s32 s21, $0x1;
	s21 =	sadd.s32 $0xFFFFFFFF, s21;
	[sflag:s13] =	ssyncadd.s32 $0xFFFFFFE0  }
.Ltmp2:
0xcf: {  	(pc) =	sbr.rel @p0 .LBB2_7-.Ltmp2, $3  }
0xd0: {  	_ =	sdelay $0x1  }
0xd1: {  	_ =	swait.ge [sflag:s13], $0x20  }
0xd2: {  	[sflag:s13] =	ssyncset.done $0x0  }
0xd3: {  	s0 =	sshrl.u32 s20, $0x3  }
0xd4: {  	s0 =	smul.u32 $0x3000, s0  }
0xd5: {  	s1 =	sand.u32 $0x380, s19  }
0xd6: {  	s18 =	sadd.s32 $0x1, s18;
	s0 =	sor.u32 s1, s0  }
0xd7: {  	p0 =	sne.s32 s18, $0x40;
	s0 =	sshrl.u32 s0, $0x3  }
.Ltmp3:
0xd8: {  	[sflag:s13] =	ssyncadd.s32 $0xFFFFFFE0;
	s0 =	sadd.s32 s5, s0;
	(pc) =	sbr.rel @p0 .LBB2_2-.Ltmp3, $4  }
0xd9: {  	[hbm4b:s0+s14] =	stream.strided.scatter [tilespmem:s16], [sflag:$0x2], $0x600, s15, s14, $0x38;
	[tilespmem:$0x12600] =	vst v63  }
0xda: {  	_ =	swait.ge [sflag:s11], $0x600  }
0xdb: {  	[sflag:s11] =	ssyncset.done $0x0  }
0xdc: {  	[sflag:s11] =	ssyncadd.s32 $0xFFFFFA00  }
0xdd: {  	s17 =	sadd.s32 $0x1, s17  }
0xde: {  	p0 =	sne.s32 s17, s8  }
.Ltmp4:
0xdf: {  	_ = 	snop;
	(pc) =	sbr.rel @p0 .LBB2_1-.Ltmp4, $1  }
0xe0: {  	_ =	sdelay $0x3  }
0xe1: {  	_ =	sfence.sel $0x180000  }
0xe2: {  	[bflag:$0x0] =	sbarrier.arrive $0xFFFF  }
0xe3: {  	_ =	strace $0x9000004A  }
0xe4: {  	s0 =	stileid.u32;
	[bflag:$0x2] =	sbarrier.arrive $0xFFFF  }
0xe5: {  	p0 =	sne.s32 s0, $0x0;
	s0 =	rddreg [dreg:$0x2]  }
0xe6: {  	s0 =	sadd.s32 @!p0 $0x100000, s0  }
0xe7: {  	[sflag:s0] =	ssyncadd.tile.s32 @!p0 $0x1;
	_ =	shalt  }
.Lfunc_end2:
_tile_overlayer_lowered:
.L_overlay_start_2:
0xe8: {  	(tag) =	ssettag $0x2  }
0xe9: {  	s0 =	rddreg [dreg:$0x0];
	s2 =	stileid.u32  }
0xea: {  	s1 =	rddreg [dreg:$0x1];
	p0 =	sne.s32 s2, $0x0  }
0xeb: {  	s3 =	rddreg [dreg:$0x2];
	[bflag:$0x3] =	sbarrier.arrive $0xFFFF;
	s2 =	simm.s32 @!p0 $0x1C02  }
0xec: {  	[timem:s3], [sflag:s2] =	dma.local @!p0 [hbm:s0], s1  }
0xed: {  	s0 =	simm.s32 @!p0 $0x2  }
0xee: {  	_ =	swait.ge @!p0 [sflag:s0], s1  }
0xef: {  	s1 =	ssub.s32 @!p0 $0x0, s1;
	[sflag:s0] =	ssyncset.done @!p0 $0x0  }
0xf0: {  	[sflag:s0] =	ssyncadd.s32 @!p0 s1  }
0xf1: {  	[bflag:$0x3] =	sbarrier.arrive $0xFFFF  }
0xf2: {  	_ =	shalt  }

// kernel: sparse-core-data-format-call.cloned.1.call-start
scs
called_computation_lowered:
.L_overlay_start_0:
0x0: {  	s1 =	sld [smem:$0x3FD9]  }
0x1: {  	s2 =	sld [smem:$0x3FFE];
	_ =	sdelay $0x1  }
0x2: {  	s3 =	srdreg.scid  }
0x3: {  	s0 =	sand.u32 $0x1, s3  }
0x4: {  	s17 =	sshll.u32 s0, $0xA;
	s1 =	sadd.s32 s2, s1  }
0x5: {  	s1 =	sadd.s32 s1, s17  }
0x6: {  	[smem:$0x3FB6] =	sst s1  }
0x7: {  	_ = 	snop  }
0x8: {  	(tm) =	ssettm $0x1  }
0x9: {  	s18 =	sld [smem:$0x3FFB];
	_ =	sdelay $0x3  }
0xa: {  	_ =	strace s18  }
0xb: {  	s1 =	sld [smem:$0x3FFC];
	_ =	sdelay $0x3  }
0xc: {  	_ =	strace s1  }
0xd: {  	s1 =	sld [smem:$0x3FFD];
	_ =	sdelay $0x3  }
0xe: {  	_ =	strace s1  }
0xf: {  	_ =	strace $0x8FFFFFFF  }
0x10: {  	s19 =	sld [smem:$0x3FDB];
	_ =	sdelay $0x1  }
0x11: {  	s20 =	simm.s32 $_scs_section_size  }
0x12: {  	s4 =	simm.s32 $_size__tile_overlayer_lowered;
	s5 =	simm.s32 $_tile_overlayer_lowered  }
0x13: {  	s23 =	simm.s32 $0x1BFF;
	s22 =	sshll.u32 s5, $0x1;
	s1 =	sadd.s32 s20, s19  }
0x14: {  	s6 =	simm.s32 $0x0;
	s21 =	sshll.u32 s4, $0x1;
	s4 =	sadd.s32 s22, s1  }
0x15: {  	[timem:s6], [sflag:s23] =	dma.local [hbm:s4], s21  }
0x16: {  	_ =	swait.ge [sflag:s23], s21  }
0x17: {  	s2 =	ssub.s32 $0x0, s21;
	[sflag:s23] =	ssyncset.done $0x0  }
0x18: {  	[sflag:s23] =	ssyncadd.s32 s2;
	_ =	sdelay $0x1  }
0x19: {  	s24 =	simm.s32 $0x1B8B  }
0x1a: {  	_ =	swait.ge [sflag:s24], $0x1  }
0x1b: {  	[sflag:s24] =	ssyncset.done $0x0  }
0x1c: {  	s26 =	simm.s32 $0x1B8E;
	s25 =	sld [smem:$0x3FFE];
	[sflag:s24] =	ssyncadd.s32 $0xFFFFFFFF  }
0x1d: {  	s27 =	simm.s32 $execute0_lowered;
	[smem:$0x3FD2] =	sst s26  }
0x1e: {  	s4 =	sshll.u32 s27, $0x1;
	_ =	strace $0x80000046;
	[dreg:$0x1] =	wrdreg $0xFFFFFFFF  }
0x1f: {  	s28 =	simm.s32 $_size_execute0_lowered;
	s1 =	sadd.s32 s1, s4;
	[dreg:$0x0] =	wrdreg $0x0  }
0x20: {  	s4 =	sshll.u32 s28, $0x1;
	[dreg:$0x2] =	wrdreg s1  }
0x21: {  	[dreg:$0x3] =	wrdreg s4  }
0x22: {  	[dreg:$0x4] =	wrdreg $0xC0  }
0x23: {  	_ =	task [dreg:s6], $0x5FFFF  }
0x24: {  	[dreg:$0x1] =	wrdreg $0xFFFFFFFF  }
0x25: {  	[dreg:$0x0] =	wrdreg $0x60  }
0x26: {  	[dreg:$0x2] =	wrdreg s25  }
0x27: {  	[dreg:$0x3] =	wrdreg $0x9  }
0x28: {  	_ =	task.clear_ibuf [dreg:s6], $0x4FFFF;
	_ =	strace $0x90000046  }
0x29: {  	s29 =	simm.s32 $0x9;
	_ =	strace $0x80000048  }
0x2a: {  	_ =	swait.ge [sflag:s29], $0x1  }
0x2b: {  	[sflag:s29] =	ssyncadd.s32 $0xFFFFFFFF  }
0x2c: {  	_ =	strace $0x90000048  }
0x2d: {  	_ =	sfence  }
0x2e: {  	s30 =	sld [smem:$0x0];
	_ =	sdelay $0x2  }
0x2f: {  	s31 =	sshll.u32 s3, $0xD;
	s3 =	sshrl.u32 s3, $0x2  }
0x30: {  	s2 =	sand.u32 $0x4000, s31;
	s1 =	sadd.s32 s3, s30  }
0x31: {  	s0 =	sor.u32 s2, s0;
	s1 =	sshll.u32 s1, $0x11  }
0x32: {  	s0 =	sor.u32 s1, s0  }
0x33: {  	s0 =	sadd.s32 $0x8F2B, s0  }
0x34: {  	[sflag:s0] =	ssyncadd.remote.s32 $0x1  }
0x35: {  	_ =	sfence.sel $0xFFFF  }
0x36: {  	[dreg:$0x0] =	wrdreg $0xFFFFFFFF;
	(pc) =	sbr.abs _section_cstart, $3  }
0x37: {  	[dreg:$0x1] =	wrdreg $0xFFFFFFFF  }
0x38: {  	_ =	task.clear_ibuf [dreg:s6], $0x2FFFF;
	_ =	strace $0x9FFFFFFF  }
0x39: {  	(tm) =	ssettm $0x7FFFFFFF  }
tec
execute0_lowered:
.L_overlay_start_1:
0x0: {  	(tag) =	ssettag $0x1  }
0x1: {  	s1 =	rddreg [dreg:$0x0]  }
0x2: {  	s0 =	rddreg [dreg:$0x1]  }
0x3: {  	_ =	strace $0x80000047;
	s4 =	srdreg.scid;
	s6 =	simm.s32 $0x2  }
0x4: {  	s11 =	simm.s32 $0x0;
	p0 =	por $0x0, $0x0;
	s7 =	simm.s32 $0x4000  }
.Ltmp0:
0x5: {  	s12 =	simm.s32 $0x0;
	s9 =	simm.s32 $0x0;
	(pc) =	sbr.rel .LBB1_1-.Ltmp0, $4  }
0x6: {  	s2 =	sadd.s32 $0x43200, s1;
	s3 =	sadd.s32 $0x44B200, s1;
	s5 =	sshll.u32 s4, $0x4  }
0x7: {  	s1 =	stileid.u32;
	s4 =	simm.s32 $0x1;
	s5 =	sand.u32 $0x10, s5  }
0x8: {  	s8 =	simm.s32 $0x0;
	[sflag:s4] =	ssyncpa.u1 $0x0;
	s5 =	sor.u32 s1, s5  }
0x9: {  	[sflag:s6] =	ssyncpa.u1 $0x0;
	s6 =	simm.s32 $0x800;
	s10 =	smov.u32 s5  }
.LBB1_7:
0xa: {  	s13 =	sadd.s32 $0x10, s9  }
0xb: {  	s11 =	sadd.s32 $0x20, s10;
	s15 =	smov.u32 s10;
	p2 =	sgt.s32 s13, $0x7F  }
0xc: {  	p1 =	slt.u32 s8, $0x2;
	s15 =	smov.u32 @p2 s11  }
0xd: {  	s8 =	sadd.s32 $0x1, s8;
	s13 =	simm.s32 @p2 $0x0;
	p2 =	sgt.s32 s15, $0xFF  }
0xe: {  	s15 =	smov.u32 @p2 s5;
	p2 =	sne.s32 s8, $0x42  }
.Ltmp1:
0xf: {  	_ = 	snop;
	(pc) =	sbr.rel @!p2 .LBB1_8-.Ltmp1, $4  }
0x10: {  	s14 =	simm.s32 @!p1 $0x2  }
0x11: {  	s12 =	smov.u32 s10;
	_ =	swait.ge @!p1 [sflag:s14], $0x4000  }
0x12: {  	p0 =	por !p0, !p0;
	s11 =	smov.u32 s9;
	[sflag:s14] =	ssyncset.done @!p1 $0x0  }
0x13: {  	s9 =	smov.u32 s13;
	[sflag:s14] =	ssyncadd.s32 @!p1 $0xFFFFC000;
	s10 =	smov.u32 s15  }
.LBB1_1:
0x14: {  	p1 =	sgt.u32 s8, $0x3F  }
0x15: {  	s13 =	sxor.u32 @!p1 $0xFFFFFFFF, s8;
	s14 =	sshll.u32 @!p1 s10, $0xE  }
0x16: {  	s15 =	sshll.u32 @!p1 s9, $0x7;
	s13 =	sshll.u32 @!p1 s13, $0xE;
	s14 =	sadd.s32 @!p1 s2, s14  }
0x17: {  	s13 =	sand.u32 @!p1 $0x4000, s13;
	s14 =	sadd.s32 @!p1 s15, s14;
	s15 =	simm.s32 @!p1 $0x0  }
0x18: {  	[tilespmem:s13], [sflag:$0x1] =	stream.linear.gather @!p1 [hbm4b:s14+s15], $0x4000, $0x38;
	[tilespmem:$0x10000] =	vst v63  }
0x19: {  	p1 =	seq.s32 s8, $0x0  }
0x1a: {  	p2 =	seq.s32 @!p1 s8, $0x41  }
0x1b: {  	p1 =	por p1, p2  }
.Ltmp2:
0x1c: {  	_ = 	snop;
	(pc) =	sbr.rel @p1 .LBB1_7-.Ltmp2, $1  }
0x1d: {  	_ =	sdelay $0x3  }
0x1e: {  	s13 =	simm.s32 $0x1;
	_ =	swait.ge [sflag:s4], $0x4000;
	s16 =	sshll.u32 s8, $0xE  }
0x1f: {  	s13 =	simm.s32 @!p0 $0x0;
	[sflag:s4] =	ssyncset.done $0x0;
	s31 =	sand.u32 $0x4000, s16  }
0x20: {  	s16 =	simm.s32 $0x0;
	s14 =	sshll.u32 s13, $0xE;
	[sflag:s4] =	ssyncadd.s32 $0xFFFFC000  }
0x21: {  	s13 =	sor.u32 $0x8040, s14;
	s15 =	sor.u32 $0x40, s14;
	s14 =	sor.u32 $0x8000, s31  }
.LBB1_3:
0x22: {  	v0 =	vmov s15;
	_ =	sdelay $0x3  }
0x23: {  	s18 =	simm.s32 $0x0  }
0x24: {  	v6 =	vld.idx.msk [tilespmem:v0+s18+$0x30 ss:$0x1], $0xffff  }
0x25: {  	v7 =	vld.idx.msk [tilespmem:v0+s18+$0xFFFFFFC0 ss:$0x1], $0xffff  }
0x26: {  	v5 =	vld.idx.msk [tilespmem:v0+s18+$0xFFFFFFD0 ss:$0x1], $0xffff  }
0x27: {  	v4 =	vld.idx.msk [tilespmem:v0+s18+$0xFFFFFFE0 ss:$0x1], $0xffff  }
0x28: {  	v3 =	vld.idx.msk [tilespmem:v0+s18+$0xFFFFFFF0 ss:$0x1], $0xffff  }
0x29: {  	v1 =	vld.idx.msk [tilespmem:v0+s18+$0x0 ss:$0x1], $0xffff  }
0x2a: {  	v2 =	vld.idx.msk [tilespmem:v0+s18+$0x10 ss:$0x1], $0xffff;
	[tilespmem:s13+$0x30] =	vst v6  }
0x2b: {  	s17 =	simm.s32 $0x80;
	s19 =	simm.s32 $0x400;
	[tilespmem:s13+$0xFFFFFFC0] =	vst v7;
	v6 =	vld.idx.msk [tilespmem:v0+s18+$0x20 ss:$0x1], $0xffff;
	s18 =	smov.u32 s13  }
.LBB1_4:
0x2c: {  	p1 =	sne.s32 s19, $0xE00;
	v7 =	vld.idx.msk [tilespmem:v0+s17+$0x30 ss:$0x1], $0xffff;
	[tilespmem:s18+$0xFFFFFFD0] =	vst v5  }
0x2d: {  	v8 =	vld.idx.msk [tilespmem:v0+s17+$0xFFFFFFC0 ss:$0x1], $0xffff;
	[tilespmem:s18+$0xFFFFFFE0] =	vst v4  }
0x2e: {  	v5 =	vld.idx.msk [tilespmem:v0+s17+$0xFFFFFFD0 ss:$0x1], $0xffff;
	[tilespmem:s18+$0xFFFFFFF0] =	vst v3  }
.Ltmp3:
0x2f: {  	v4 =	vld.idx.msk [tilespmem:v0+s17+$0xFFFFFFE0 ss:$0x1], $0xffff;
	[tilespmem:s18+$0x0] =	vst v1;
	(pc) =	sbr.rel @p1 .LBB1_4-.Ltmp3, $4  }
0x30: {  	v3 =	vld.idx.msk [tilespmem:v0+s17+$0xFFFFFFF0 ss:$0x1], $0xffff;
	[tilespmem:s18+$0x10] =	vst v2  }
0x31: {  	v1 =	vld.idx.msk [tilespmem:v0+s17+$0x0 ss:$0x1], $0xffff;
	[tilespmem:s18+$0x20] =	vst v6;
	s18 =	sadd.s32 $0x800, s18  }
0x32: {  	v2 =	vld.idx.msk [tilespmem:v0+s17+$0x10 ss:$0x1], $0xffff;
	[tilespmem:s18+$0x30] =	vst v7  }
0x33: {  	[tilespmem:s18+$0xFFFFFFC0] =	vst v8;
	v6 =	vld.idx.msk [tilespmem:v0+s17+$0x20 ss:$0x1], $0xffff;
	s17 =	sshra.s32 s19, $0x2;
	s19 =	sadd.s32 $0x200, s19  }
0x34: {  	_ =	sdelay $0x2  }
0x35: {  	[tilespmem:s18+$0xFFFFFFD0] =	vst v5  }
0x36: {  	v56 =	vld.idx.msk [tilespmem:v0+s17+$0x30 ss:$0x1], $0xffff;
	[tilespmem:s18+$0xFFFFFFE0] =	vst v4  }
0x37: {  	v57 =	vld.idx.msk [tilespmem:v0+s17+$0xFFFFFFC0 ss:$0x1], $0xffff;
	[tilespmem:s18+$0xFFFFFFF0] =	vst v3  }
0x38: {  	v58 =	vld.idx.msk [tilespmem:v0+s17+$0xFFFFFFD0 ss:$0x1], $0xffff;
	[tilespmem:s18+$0x0] =	vst v1  }
0x39: {  	v59 =	vld.idx.msk [tilespmem:v0+s17+$0xFFFFFFE0 ss:$0x1], $0xffff;
	[tilespmem:s18+$0x10] =	vst v2  }
0x3a: {  	v60 =	vld.idx.msk [tilespmem:v0+s17+$0xFFFFFFF0 ss:$0x1], $0xffff;
	s31 =	sadd.s32 $0x800, s18;
	[tilespmem:s18+$0x20] =	vst v6  }
0x3b: {  	v61 =	vld.idx.msk [tilespmem:v0+s17+$0x0 ss:$0x1], $0xffff;
	[tilespmem:s31+$0x30] =	vst v56  }
0x3c: {  	v62 =	vld.idx.msk [tilespmem:v0+s17+$0x10 ss:$0x1], $0xffff;
	s16 =	sadd.s32 $0x1, s16;
	[tilespmem:s31+$0xFFFFFFC0] =	vst v57  }
0x3d: {  	v63 =	vld.idx.msk [tilespmem:v0+s17+$0x20 ss:$0x1], $0xffff;
	p1 =	sne.s32 s16, $0x10;
	[tilespmem:s31+$0xFFFFFFD0] =	vst v58  }
.Ltmp4:
0x3e: {  	[tilespmem:s31+$0xFFFFFFE0] =	vst v59;
	(pc) =	sbr.rel @p1 .LBB1_3-.Ltmp4, $4  }
0x3f: {  	[tilespmem:s31+$0xFFFFFFF0] =	vst v60  }
0x40: {  	[tilespmem:s31+$0x0] =	vst v61  }
0x41: {  	[tilespmem:s31+$0x10] =	vst v62  }
0x42: {  	s13 =	sadd.s32 $0x80, s13;
	s15 =	sadd.s32 $0x400, s15;
	[tilespmem:s31+$0x20] =	vst v63  }
.Ltmp5:
0x43: {  	(pc) =	sbr.rel .LBB1_7-.Ltmp5, $4  }
0x44: {  	s12 =	sshll.u32 s12, $0xE;
	s11 =	sshll.u32 s11, $0x4  }
0x45: {  	s11 =	sand.u32 $0x7F0, s11;
	s12 =	sadd.s32 s3, s12  }
0x46: {  	s11 =	sadd.s32 s11, s12  }
0x47: {  	[hbm4b:s11+s6] =	stream.strided.scatter [tilespmem:s14], [sflag:$0x2], $0x4000, s7, s6, $0x38;
	[tilespmem:$0x10000] =	vst v63  }
.LBB1_8:
0x48: {  	_ =	sfence.sel $0x180000  }
0x49: {  	s2 =	simm.s32 $0x1;
	[bflag:$0x0] =	sbarrier.arrive $0xFFFF  }
0x4a: {  	s31 =	simm.s32 $0x2;
	[sflag:s2] =	ssyncpa.u1 $0x1  }
0x4b: {  	[sflag:s31] =	ssyncpa.u1 $0x1  }
0x4c: {  	p0 =	sne.s32 s1, $0x0;
	_ =	strace $0x90000047  }
0x4d: {  	s0 =	sadd.s32 @!p0 $0x100000, s0;
	[bflag:$0x2] =	sbarrier.arrive $0xFFFF  }
0x4e: {  	[sflag:s0] =	ssyncadd.tile.s32 @!p0 $0x1;
	_ =	shalt  }
.Lfunc_end1:
_tile_overlayer_lowered:
.L_overlay_start_2:
0x4f: {  	(tag) =	ssettag $0x2  }
0x50: {  	s0 =	rddreg [dreg:$0x0];
	s2 =	stileid.u32  }
0x51: {  	s1 =	rddreg [dreg:$0x1];
	p0 =	sne.s32 s2, $0x0  }
0x52: {  	s3 =	rddreg [dreg:$0x2];
	[bflag:$0x3] =	sbarrier.arrive $0xFFFF;
	s2 =	simm.s32 @!p0 $0x1C01  }
0x53: {  	[timem:s3], [sflag:s2] =	dma.local @!p0 [hbm:s0], s1  }
0x54: {  	s0 =	simm.s32 @!p0 $0x1  }
0x55: {  	_ =	swait.ge @!p0 [sflag:s0], s1  }
0x56: {  	s1 =	ssub.s32 @!p0 $0x0, s1;
	[sflag:s0] =	ssyncset.done @!p0 $0x0  }
0x57: {  	[sflag:s0] =	ssyncadd.s32 @!p0 s1  }
0x58: {  	[bflag:$0x3] =	sbarrier.arrive $0xFFFF  }
0x59: {  	_ =	shalt  }

</sc_bundles>
